<compile_context>
chip_gen: v7x
topology: tpu7x:2x2x1
jax: 0.10.2.dev20260603
libtpu: 0.0.44.dev20260713+nightly
codegen_flags: <defaults>
</compile_context>

<pallas_src>
import functools

import jax
import jax.numpy as jnp
from jax import lax
from jax.experimental import pallas as pl
from jax.experimental.pallas import tpu as pltpu
from jax.experimental.pallas import tpu_sc as plsc

_INFO = plsc.get_sparse_core_info()
_NC = _INFO.num_cores
_NS = _INFO.num_subcores
_NW = _NC * _NS
_CHUNK = 128


_BI = 8192
_NMAIN = 61
_H = _BI * _NMAIN


@functools.lru_cache(maxsize=None)
def _make_repack(V, D):
    n_tail = (V - 2 * _H + _BI - 1) // _BI
    grid = _NMAIN + n_tail

    def body(lo_ref, hi_ref, out_ref):
        out_ref[...] = jnp.concatenate(
            [lo_ref[...].T, hi_ref[...].T], axis=1
        )

    return pl.pallas_call(
        body,
        grid=(grid,),
        in_specs=[
            pl.BlockSpec(
                (D, _BI),
                lambda g: (0, jnp.where(g < _NMAIN, g, g + _NMAIN)),
            ),
            pl.BlockSpec((D, _BI), lambda g: (0, g + _NMAIN)),
        ],
        out_specs=pl.BlockSpec((_BI, 2 * D), lambda g: (g, 0)),
        out_shape=jax.ShapeDtypeStruct((grid * _BI, 2 * D), jnp.float32),
    )


@functools.lru_cache(maxsize=None)
def _make_lookup(V, D, B):
    b_per_w = B // _NW
    n_chunks = b_per_w // _CHUNK
    mesh = plsc.VectorSubcoreMesh(core_axis_name="c", subcore_axis_name="s")

    @functools.partial(
        pl.kernel,
        mesh=mesh,
        out_type=jax.ShapeDtypeStruct((B * D,), jnp.float32),
        scratch_types=[
            pltpu.VMEM((b_per_w,), jnp.int32),
            pltpu.VMEM((n_chunks, _CHUNK), jnp.int32),
            pltpu.VMEM((b_per_w, 2 * D), jnp.float32),
            pltpu.VMEM((b_per_w * D,), jnp.float32),
            pltpu.SemaphoreType.DMA,
        ],
    )
    def lookup(packed_hbm, idx_hbm, out_hbm, idx_v, p_v, pairs_v, rows_v, sem):
        wid = lax.axis_index("s") * _NC + lax.axis_index("c")
        base = wid * b_per_w
        pltpu.sync_copy(idx_hbm.at[pl.ds(base, b_per_w)], idx_v)

        for r in range(n_chunks):

            def mkp(g, _, r=r):
                vec = idx_v[pl.ds(r * _CHUNK + g * 16, 16)]
                p_v[r, pl.ds(g * 16, 16)] = jnp.where(vec >= _H, vec - _H, vec)
                return 0

            lax.fori_loop(0, _CHUNK // 16, mkp, 0)

        copies = [
            pltpu.async_copy(
                packed_hbm.at[p_v.at[r]],
                pairs_v.at[pl.ds(r * _CHUNK, _CHUNK)],
                sem,
            )
            for r in range(n_chunks)
        ]
        for c in copies:
            c.wait()

        def sel(g, _):
            vec = idx_v[pl.ds(g * 16, 16)]
            for j in range(16):
                k = g * 16 + j
                half = (vec[j] >= _H).astype(jnp.int32) * D
                for t in range(D // 16):
                    rows_v[pl.ds(k * D + t * 16, 16)] = pairs_v[
                        k, pl.ds(half + t * 16, 16)
                    ]
            return 0

        lax.fori_loop(0, b_per_w // 16, sel, 0)
        pltpu.sync_copy(rows_v, out_hbm.at[pl.ds(base * D, b_per_w * D)])

    return lookup


def kernel(x, age_embedding_weight):
    (B,) = x.shape
    V, D = age_embedding_weight.shape
    wt = age_embedding_weight.T
    packed = _make_repack(V, D)(wt, wt)
    flat = _make_lookup(V, D, B)(packed, x.astype(jnp.int32))
    return flat.reshape(B, D)

# --- scband reference (transcript-rebuilt; emitter-appended) ---
"""Pipeline reference for scband-age-embedding-5050881540377 (READ-ONLY COPY).

The authoritative reference and input builder live on the scoring server;
editing this copy changes nothing except your own understanding.
"""

import jax, jax.numpy as jnp
import numpy as np

MAX_AGE = 1000000
EMBED_DIM = 64
BATCH = 16384

def setup_inputs(seed: int = 0) -> dict:
    key = jax.random.key(seed)
    k_idx, k_tab = jax.random.split(key)
    x = jax.random.randint(k_idx, (BATCH,), 0, MAX_AGE, dtype=jnp.int64 if jax.config.jax_enable_x64 else jnp.int32)
    # nn.Embedding default init: N(0, 1)
    age_embedding_weight = jax.random.normal(k_tab, (MAX_AGE, EMBED_DIM), dtype=jnp.float32)
    return {"x": x, "age_embedding_weight": age_embedding_weight}

def reference(x, age_embedding_weight):
    # AgeEmbedding.forward: self.age_embedding(x)
    return jnp.take(age_embedding_weight, x, axis=0)

if __name__ == "__main__":
    import jax
    _d = setup_inputs()
    print(jax.jit(kernel)(*tuple(_d.values())))

</pallas_src>

<mosaic_0001>
#map = affine_map<(d0, d1) -> (0, 0)>
#map1 = affine_map<(d0, d1) -> (0)>
module attributes {stable_mosaic.version = 14 : i64} {
  func.func @lookup(%arg0: i32, %arg1: i32, %arg2: memref<507904x128xf32, #tpu.memory_space<hbm>>, %arg3: memref<16384xi32, #tpu.memory_space<hbm>>, %arg4: memref<1048576xf32, #tpu.memory_space<hbm>>, %arg5: memref<512xi32, #tpu.memory_space<vmem>>, %arg6: memref<4x128xi32, #tpu.memory_space<vmem>>, %arg7: memref<512x128xf32, #tpu.memory_space<vmem>>, %arg8: memref<32768xf32, #tpu.memory_space<vmem>>, %arg9: memref<!tpu.dma_semaphore, #tpu.memory_space<semaphore_mem>>) attributes {dimension_semantics = [#tpu.dimension_semantics<core_parallel>, #tpu.dimension_semantics<subcore_parallel>], iteration_bounds = array<i64: 2, 16>, scalar_prefetch = 0 : i64, scratch_operands = 5 : i64, tpu.core_type = #tpu.core_type<sc_vector_subcore>, window_params = [{transform_indices = #map}, {transform_indices = #map1}, {transform_indices = #map1}]} {
    %mul3A = arith.constant 2 : i32
    %mul3A_0 = arith.muli %arg1, %mul3A : i32
    %add3A = arith.addi %mul3A_0, %arg0 : i32
    %mul3A_1 = arith.constant 512 : i32
    %mul3A_2 = arith.muli %add3A, %mul3A_1 : i32
    "tpu.region"() ({
      %run_scoped3A = tpu.sem_alloc : memref<!tpu.dma_semaphore, #tpu.memory_space<semaphore_mem>>
      %dma_start3A_117 = tpu.memref_slice %arg3[%mul3A_2] : memref<16384xi32, #tpu.memory_space<hbm>> -> memref<512xi32, #tpu.memory_space<hbm>>
      %dma_start3A_118 = tpu.memref_slice %arg3[%mul3A_2] : memref<16384xi32, #tpu.memory_space<hbm>> -> memref<512xi32, #tpu.memory_space<hbm>>
      tpu.enqueue_dma source(%dma_start3A_118 : memref<512xi32, #tpu.memory_space<hbm>>) target(%arg5 : memref<512xi32, #tpu.memory_space<vmem>>) target_semaphore(%run_scoped3A : memref<!tpu.dma_semaphore, #tpu.memory_space<semaphore_mem>>)
      %dma_wait3A_119 = tpu.memref_slice %arg3[%mul3A_2] : memref<16384xi32, #tpu.memory_space<hbm>> -> memref<512xi32, #tpu.memory_space<hbm>>
      %dma_wait3A_120 = tpu.memref_slice %arg3[%mul3A_2] : memref<16384xi32, #tpu.memory_space<hbm>> -> memref<512xi32, #tpu.memory_space<hbm>>
      tpu.wait_dma2 semaphore(%run_scoped3A : memref<!tpu.dma_semaphore, #tpu.memory_space<semaphore_mem>>) src(%dma_wait3A_120 : memref<512xi32, #tpu.memory_space<hbm>>) dst(%arg5 : memref<512xi32, #tpu.memory_space<vmem>>)
      tpu.yield
    }) : () -> ()
    %scan3A = arith.constant 0 : i32
    %scan3A_3 = arith.constant 0 : i32
    %scan3A_4 = arith.constant 8 : i32
    %scan3A_5 = arith.addi %scan3A_3, %scan3A_4 : i32
    %scan3A_6 = arith.constant 1 : i32
    %scan3A_7 = scf.for %scan3A_117 = %scan3A_3 to %scan3A_5 step %scan3A_6 iter_args(%scan3A_118 = %scan3A) -> (i32)  : i32 {
      %mul3A_119 = arith.constant 16 : i32
      %mul3A_120 = arith.muli %scan3A_117, %mul3A_119 : i32
      %add3A_121 = arith.constant 0 : i32
      %add3A_122 = arith.addi %add3A_121, %mul3A_120 : i32
      %get3A = arith.index_cast %add3A_122 : i32 to index
      %get3A_123 = tpu.vector_load %arg5[%get3A] {strides = array<i32>} : memref<512xi32, #tpu.memory_space<vmem>>, vector<16xi32>,
      %get3A_124 = vector.shape_cast %get3A_123 : vector<16xi32> to vector<16xi32>
      %ge3A = arith.constant 499712 : i32
      %ge3A_125 = vector.broadcast %ge3A : i32 to vector<16xi32>
      %ge3A_126 = arith.cmpi sge, %get3A_124, %ge3A_125 : vector<16xi32>
      %sub3A = arith.constant 499712 : i32
      %sub3A_127 = vector.broadcast %sub3A : i32 to vector<16xi32>
      %sub3A_128 = arith.subi %get3A_124, %sub3A_127 : vector<16xi32>
      %select_n3A = arith.select %ge3A_126, %sub3A_128, %get3A_124 : vector<16xi1>, vector<16xi32>
      %mul3A_129 = arith.constant 16 : i32
      %mul3A_130 = arith.muli %scan3A_117, %mul3A_129 : i32
      %swap3A = arith.constant 0 : i32
      %swap3A_131 = arith.index_cast %swap3A : i32 to index
      %swap3A_132 = arith.index_cast %mul3A_130 : i32 to index
      %swap3A_133 = tpu.vector_load %arg6[%swap3A_131, %swap3A_132] {strides = array<i32>} : memref<4x128xi32, #tpu.memory_space<vmem>>, vector<1x16xi32>,
      %swap3A_134 = vector.shape_cast %swap3A_133 : vector<1x16xi32> to vector<16xi32>
      %swap3A_135 = vector.shape_cast %select_n3A : vector<16xi32> to vector<1x16xi32>
      tpu.vector_store %arg6[%swap3A_131, %swap3A_132], %swap3A_135 {strides = array<i32>} : memref<4x128xi32, #tpu.memory_space<vmem>>, vector<1x16xi32>,
      %scan3A_136 = arith.constant 0 : i32
      scf.yield %scan3A_136 : i32
    }
    %scan3A_8 = arith.constant 8 : i32
    %scan3A_9 = arith.constant 0 : i32
    %scan3A_10 = arith.constant 0 : i32
    %scan3A_11 = arith.constant 8 : i32
    %scan3A_12 = arith.addi %scan3A_10, %scan3A_11 : i32
    %scan3A_13 = arith.constant 1 : i32
    %scan3A_14 = scf.for %scan3A_117 = %scan3A_10 to %scan3A_12 step %scan3A_13 iter_args(%scan3A_118 = %scan3A_9) -> (i32)  : i32 {
      %mul3A_119 = arith.constant 16 : i32
      %mul3A_120 = arith.muli %scan3A_117, %mul3A_119 : i32
      %add3A_121 = arith.constant 128 : i32
      %add3A_122 = arith.addi %add3A_121, %mul3A_120 : i32
      %get3A = arith.index_cast %add3A_122 : i32 to index
      %get3A_123 = tpu.vector_load %arg5[%get3A] {strides = array<i32>} : memref<512xi32, #tpu.memory_space<vmem>>, vector<16xi32>,
      %get3A_124 = vector.shape_cast %get3A_123 : vector<16xi32> to vector<16xi32>
      %ge3A = arith.constant 499712 : i32
      %ge3A_125 = vector.broadcast %ge3A : i32 to vector<16xi32>
      %ge3A_126 = arith.cmpi sge, %get3A_124, %ge3A_125 : vector<16xi32>
      %sub3A = arith.constant 499712 : i32
      %sub3A_127 = vector.broadcast %sub3A : i32 to vector<16xi32>
      %sub3A_128 = arith.subi %get3A_124, %sub3A_127 : vector<16xi32>
      %select_n3A = arith.select %ge3A_126, %sub3A_128, %get3A_124 : vector<16xi1>, vector<16xi32>
      %mul3A_129 = arith.constant 16 : i32
      %mul3A_130 = arith.muli %scan3A_117, %mul3A_129 : i32
      %swap3A = arith.constant 1 : i32
      %swap3A_131 = arith.index_cast %swap3A : i32 to index
      %swap3A_132 = arith.index_cast %mul3A_130 : i32 to index
      %swap3A_133 = tpu.vector_load %arg6[%swap3A_131, %swap3A_132] {strides = array<i32>} : memref<4x128xi32, #tpu.memory_space<vmem>>, vector<1x16xi32>,
      %swap3A_134 = vector.shape_cast %swap3A_133 : vector<1x16xi32> to vector<16xi32>
      %swap3A_135 = vector.shape_cast %select_n3A : vector<16xi32> to vector<1x16xi32>
      tpu.vector_store %arg6[%swap3A_131, %swap3A_132], %swap3A_135 {strides = array<i32>} : memref<4x128xi32, #tpu.memory_space<vmem>>, vector<1x16xi32>,
      %scan3A_136 = arith.constant 0 : i32
      scf.yield %scan3A_136 : i32
    }
    %scan3A_15 = arith.constant 8 : i32
    %scan3A_16 = arith.constant 0 : i32
    %scan3A_17 = arith.constant 0 : i32
    %scan3A_18 = arith.constant 8 : i32
    %scan3A_19 = arith.addi %scan3A_17, %scan3A_18 : i32
    %scan3A_20 = arith.constant 1 : i32
    %scan3A_21 = scf.for %scan3A_117 = %scan3A_17 to %scan3A_19 step %scan3A_20 iter_args(%scan3A_118 = %scan3A_16) -> (i32)  : i32 {
      %mul3A_119 = arith.constant 16 : i32
      %mul3A_120 = arith.muli %scan3A_117, %mul3A_119 : i32
      %add3A_121 = arith.constant 256 : i32
      %add3A_122 = arith.addi %add3A_121, %mul3A_120 : i32
      %get3A = arith.index_cast %add3A_122 : i32 to index
      %get3A_123 = tpu.vector_load %arg5[%get3A] {strides = array<i32>} : memref<512xi32, #tpu.memory_space<vmem>>, vector<16xi32>,
      %get3A_124 = vector.shape_cast %get3A_123 : vector<16xi32> to vector<16xi32>
      %ge3A = arith.constant 499712 : i32
      %ge3A_125 = vector.broadcast %ge3A : i32 to vector<16xi32>
      %ge3A_126 = arith.cmpi sge, %get3A_124, %ge3A_125 : vector<16xi32>
      %sub3A = arith.constant 499712 : i32
      %sub3A_127 = vector.broadcast %sub3A : i32 to vector<16xi32>
      %sub3A_128 = arith.subi %get3A_124, %sub3A_127 : vector<16xi32>
      %select_n3A = arith.select %ge3A_126, %sub3A_128, %get3A_124 : vector<16xi1>, vector<16xi32>
      %mul3A_129 = arith.constant 16 : i32
      %mul3A_130 = arith.muli %scan3A_117, %mul3A_129 : i32
      %swap3A = arith.constant 2 : i32
      %swap3A_131 = arith.index_cast %swap3A : i32 to index
      %swap3A_132 = arith.index_cast %mul3A_130 : i32 to index
      %swap3A_133 = tpu.vector_load %arg6[%swap3A_131, %swap3A_132] {strides = array<i32>} : memref<4x128xi32, #tpu.memory_space<vmem>>, vector<1x16xi32>,
      %swap3A_134 = vector.shape_cast %swap3A_133 : vector<1x16xi32> to vector<16xi32>
      %swap3A_135 = vector.shape_cast %select_n3A : vector<16xi32> to vector<1x16xi32>
      tpu.vector_store %arg6[%swap3A_131, %swap3A_132], %swap3A_135 {strides = array<i32>} : memref<4x128xi32, #tpu.memory_space<vmem>>, vector<1x16xi32>,
      %scan3A_136 = arith.constant 0 : i32
      scf.yield %scan3A_136 : i32
    }
    %scan3A_22 = arith.constant 8 : i32
    %scan3A_23 = arith.constant 0 : i32
    %scan3A_24 = arith.constant 0 : i32
    %scan3A_25 = arith.constant 8 : i32
    %scan3A_26 = arith.addi %scan3A_24, %scan3A_25 : i32
    %scan3A_27 = arith.constant 1 : i32
    %scan3A_28 = scf.for %scan3A_117 = %scan3A_24 to %scan3A_26 step %scan3A_27 iter_args(%scan3A_118 = %scan3A_23) -> (i32)  : i32 {
      %mul3A_119 = arith.constant 16 : i32
      %mul3A_120 = arith.muli %scan3A_117, %mul3A_119 : i32
      %add3A_121 = arith.constant 384 : i32
      %add3A_122 = arith.addi %add3A_121, %mul3A_120 : i32
      %get3A = arith.index_cast %add3A_122 : i32 to index
      %get3A_123 = tpu.vector_load %arg5[%get3A] {strides = array<i32>} : memref<512xi32, #tpu.memory_space<vmem>>, vector<16xi32>,
      %get3A_124 = vector.shape_cast %get3A_123 : vector<16xi32> to vector<16xi32>
      %ge3A = arith.constant 499712 : i32
      %ge3A_125 = vector.broadcast %ge3A : i32 to vector<16xi32>
      %ge3A_126 = arith.cmpi sge, %get3A_124, %ge3A_125 : vector<16xi32>
      %sub3A = arith.constant 499712 : i32
      %sub3A_127 = vector.broadcast %sub3A : i32 to vector<16xi32>
      %sub3A_128 = arith.subi %get3A_124, %sub3A_127 : vector<16xi32>
      %select_n3A = arith.select %ge3A_126, %sub3A_128, %get3A_124 : vector<16xi1>, vector<16xi32>
      %mul3A_129 = arith.constant 16 : i32
      %mul3A_130 = arith.muli %scan3A_117, %mul3A_129 : i32
      %swap3A = arith.constant 3 : i32
      %swap3A_131 = arith.index_cast %swap3A : i32 to index
      %swap3A_132 = arith.index_cast %mul3A_130 : i32 to index
      %swap3A_133 = tpu.vector_load %arg6[%swap3A_131, %swap3A_132] {strides = array<i32>} : memref<4x128xi32, #tpu.memory_space<vmem>>, vector<1x16xi32>,
      %swap3A_134 = vector.shape_cast %swap3A_133 : vector<1x16xi32> to vector<16xi32>
      %swap3A_135 = vector.shape_cast %select_n3A : vector<16xi32> to vector<1x16xi32>
      tpu.vector_store %arg6[%swap3A_131, %swap3A_132], %swap3A_135 {strides = array<i32>} : memref<4x128xi32, #tpu.memory_space<vmem>>, vector<1x16xi32>,
      %scan3A_136 = arith.constant 0 : i32
      scf.yield %scan3A_136 : i32
    }
    %scan3A_29 = arith.constant 8 : i32
    %dma_start3A = arith.constant 0 : i32
    %dma_start3A_30 = arith.constant 0 : i32
    %dma_start3A_31 = arith.constant 0 : i32
    %dma_start3A_32 = tpu.memref_slice %arg7[%dma_start3A_30, %dma_start3A_31] : memref<512x128xf32, #tpu.memory_space<vmem>> -> memref<128x128xf32, #tpu.memory_space<vmem>>
    %dma_start3A_33 = arith.constant 0 : i32
    %dma_start3A_34 = tpu.memref_slice %arg6[%dma_start3A, %dma_start3A_33] : memref<4x128xi32, #tpu.memory_space<vmem>> -> memref<1x128xi32, #tpu.memory_space<vmem>>
    %dma_start3A_35 = tpu.memref_squeeze %dma_start3A_34 : memref<1x128xi32, #tpu.memory_space<vmem>> -> memref<128xi32, #tpu.memory_space<vmem>>
    %dma_start3A_36 = arith.constant 0 : i32
    %dma_start3A_37 = arith.constant 0 : i32
    %dma_start3A_38 = tpu.memref_slice %arg2[%dma_start3A_36, %dma_start3A_37] : memref<507904x128xf32, #tpu.memory_space<hbm>> -> memref<507904x128xf32, #tpu.memory_space<hbm>>
    tpu.enqueue_indirect_dma source(%dma_start3A_38 : memref<507904x128xf32, #tpu.memory_space<hbm>>) target(%dma_start3A_32 : memref<128x128xf32, #tpu.memory_space<vmem>>) offsets(%dma_start3A_35 : memref<128xi32, #tpu.memory_space<vmem>>) semaphore(%arg9 : memref<!tpu.dma_semaphore, #tpu.memory_space<semaphore_mem>>)
    %dma_start3A_39 = arith.constant 1 : i32
    %dma_start3A_40 = arith.constant 128 : i32
    %dma_start3A_41 = arith.constant 0 : i32
    %dma_start3A_42 = tpu.memref_slice %arg7[%dma_start3A_40, %dma_start3A_41] : memref<512x128xf32, #tpu.memory_space<vmem>> -> memref<128x128xf32, #tpu.memory_space<vmem>>
    %dma_start3A_43 = arith.constant 0 : i32
    %dma_start3A_44 = tpu.memref_slice %arg6[%dma_start3A_39, %dma_start3A_43] : memref<4x128xi32, #tpu.memory_space<vmem>> -> memref<1x128xi32, #tpu.memory_space<vmem>>
    %dma_start3A_45 = tpu.memref_squeeze %dma_start3A_44 : memref<1x128xi32, #tpu.memory_space<vmem>> -> memref<128xi32, #tpu.memory_space<vmem>>
    %dma_start3A_46 = arith.constant 0 : i32
    %dma_start3A_47 = arith.constant 0 : i32
    %dma_start3A_48 = tpu.memref_slice %arg2[%dma_start3A_46, %dma_start3A_47] : memref<507904x128xf32, #tpu.memory_space<hbm>> -> memref<507904x128xf32, #tpu.memory_space<hbm>>
    tpu.enqueue_indirect_dma source(%dma_start3A_48 : memref<507904x128xf32, #tpu.memory_space<hbm>>) target(%dma_start3A_42 : memref<128x128xf32, #tpu.memory_space<vmem>>) offsets(%dma_start3A_45 : memref<128xi32, #tpu.memory_space<vmem>>) semaphore(%arg9 : memref<!tpu.dma_semaphore, #tpu.memory_space<semaphore_mem>>)
    %dma_start3A_49 = arith.constant 2 : i32
    %dma_start3A_50 = arith.constant 256 : i32
    %dma_start3A_51 = arith.constant 0 : i32
    %dma_start3A_52 = tpu.memref_slice %arg7[%dma_start3A_50, %dma_start3A_51] : memref<512x128xf32, #tpu.memory_space<vmem>> -> memref<128x128xf32, #tpu.memory_space<vmem>>
    %dma_start3A_53 = arith.constant 0 : i32
    %dma_start3A_54 = tpu.memref_slice %arg6[%dma_start3A_49, %dma_start3A_53] : memref<4x128xi32, #tpu.memory_space<vmem>> -> memref<1x128xi32, #tpu.memory_space<vmem>>
    %dma_start3A_55 = tpu.memref_squeeze %dma_start3A_54 : memref<1x128xi32, #tpu.memory_space<vmem>> -> memref<128xi32, #tpu.memory_space<vmem>>
    %dma_start3A_56 = arith.constant 0 : i32
    %dma_start3A_57 = arith.constant 0 : i32
    %dma_start3A_58 = tpu.memref_slice %arg2[%dma_start3A_56, %dma_start3A_57] : memref<507904x128xf32, #tpu.memory_space<hbm>> -> memref<507904x128xf32, #tpu.memory_space<hbm>>
    tpu.enqueue_indirect_dma source(%dma_start3A_58 : memref<507904x128xf32, #tpu.memory_space<hbm>>) target(%dma_start3A_52 : memref<128x128xf32, #tpu.memory_space<vmem>>) offsets(%dma_start3A_55 : memref<128xi32, #tpu.memory_space<vmem>>) semaphore(%arg9 : memref<!tpu.dma_semaphore, #tpu.memory_space<semaphore_mem>>)
    %dma_start3A_59 = arith.constant 3 : i32
    %dma_start3A_60 = arith.constant 384 : i32
    %dma_start3A_61 = arith.constant 0 : i32
    %dma_start3A_62 = tpu.memref_slice %arg7[%dma_start3A_60, %dma_start3A_61] : memref<512x128xf32, #tpu.memory_space<vmem>> -> memref<128x128xf32, #tpu.memory_space<vmem>>
    %dma_start3A_63 = arith.constant 0 : i32
    %dma_start3A_64 = tpu.memref_slice %arg6[%dma_start3A_59, %dma_start3A_63] : memref<4x128xi32, #tpu.memory_space<vmem>> -> memref<1x128xi32, #tpu.memory_space<vmem>>
    %dma_start3A_65 = tpu.memref_squeeze %dma_start3A_64 : memref<1x128xi32, #tpu.memory_space<vmem>> -> memref<128xi32, #tpu.memory_space<vmem>>
    %dma_start3A_66 = arith.constant 0 : i32
    %dma_start3A_67 = arith.constant 0 : i32
    %dma_start3A_68 = tpu.memref_slice %arg2[%dma_start3A_66, %dma_start3A_67] : memref<507904x128xf32, #tpu.memory_space<hbm>> -> memref<507904x128xf32, #tpu.memory_space<hbm>>
    tpu.enqueue_indirect_dma source(%dma_start3A_68 : memref<507904x128xf32, #tpu.memory_space<hbm>>) target(%dma_start3A_62 : memref<128x128xf32, #tpu.memory_space<vmem>>) offsets(%dma_start3A_65 : memref<128xi32, #tpu.memory_space<vmem>>) semaphore(%arg9 : memref<!tpu.dma_semaphore, #tpu.memory_space<semaphore_mem>>)
    %dma_wait3A = arith.constant 0 : i32
    %dma_wait3A_69 = arith.constant 0 : i32
    %dma_wait3A_70 = arith.constant 0 : i32
    %dma_wait3A_71 = tpu.memref_slice %arg7[%dma_wait3A_69, %dma_wait3A_70] : memref<512x128xf32, #tpu.memory_space<vmem>> -> memref<128x128xf32, #tpu.memory_space<vmem>>
    %dma_wait3A_72 = arith.constant 0 : i32
    %dma_wait3A_73 = tpu.memref_slice %arg6[%dma_wait3A, %dma_wait3A_72] : memref<4x128xi32, #tpu.memory_space<vmem>> -> memref<1x128xi32, #tpu.memory_space<vmem>>
    %dma_wait3A_74 = tpu.memref_squeeze %dma_wait3A_73 : memref<1x128xi32, #tpu.memory_space<vmem>> -> memref<128xi32, #tpu.memory_space<vmem>>
    %dma_wait3A_75 = arith.constant 0 : i32
    %dma_wait3A_76 = arith.constant 0 : i32
    %dma_wait3A_77 = tpu.memref_slice %arg2[%dma_wait3A_75, %dma_wait3A_76] : memref<507904x128xf32, #tpu.memory_space<hbm>> -> memref<507904x128xf32, #tpu.memory_space<hbm>>
    tpu.wait_indirect_dma semaphore(%arg9 : memref<!tpu.dma_semaphore, #tpu.memory_space<semaphore_mem>>) src(%dma_wait3A_77 : memref<507904x128xf32, #tpu.memory_space<hbm>>) dst(%dma_wait3A_71 : memref<128x128xf32, #tpu.memory_space<vmem>>)
    %dma_wait3A_78 = arith.constant 1 : i32
    %dma_wait3A_79 = arith.constant 128 : i32
    %dma_wait3A_80 = arith.constant 0 : i32
    %dma_wait3A_81 = tpu.memref_slice %arg7[%dma_wait3A_79, %dma_wait3A_80] : memref<512x128xf32, #tpu.memory_space<vmem>> -> memref<128x128xf32, #tpu.memory_space<vmem>>
    %dma_wait3A_82 = arith.constant 0 : i32
    %dma_wait3A_83 = tpu.memref_slice %arg6[%dma_wait3A_78, %dma_wait3A_82] : memref<4x128xi32, #tpu.memory_space<vmem>> -> memref<1x128xi32, #tpu.memory_space<vmem>>
    %dma_wait3A_84 = tpu.memref_squeeze %dma_wait3A_83 : memref<1x128xi32, #tpu.memory_space<vmem>> -> memref<128xi32, #tpu.memory_space<vmem>>
    %dma_wait3A_85 = arith.constant 0 : i32
    %dma_wait3A_86 = arith.constant 0 : i32
    %dma_wait3A_87 = tpu.memref_slice %arg2[%dma_wait3A_85, %dma_wait3A_86] : memref<507904x128xf32, #tpu.memory_space<hbm>> -> memref<507904x128xf32, #tpu.memory_space<hbm>>
    tpu.wait_indirect_dma semaphore(%arg9 : memref<!tpu.dma_semaphore, #tpu.memory_space<semaphore_mem>>) src(%dma_wait3A_87 : memref<507904x128xf32, #tpu.memory_space<hbm>>) dst(%dma_wait3A_81 : memref<128x128xf32, #tpu.memory_space<vmem>>)
    %dma_wait3A_88 = arith.constant 2 : i32
    %dma_wait3A_89 = arith.constant 256 : i32
    %dma_wait3A_90 = arith.constant 0 : i32
    %dma_wait3A_91 = tpu.memref_slice %arg7[%dma_wait3A_89, %dma_wait3A_90] : memref<512x128xf32, #tpu.memory_space<vmem>> -> memref<128x128xf32, #tpu.memory_space<vmem>>
    %dma_wait3A_92 = arith.constant 0 : i32
    %dma_wait3A_93 = tpu.memref_slice %arg6[%dma_wait3A_88, %dma_wait3A_92] : memref<4x128xi32, #tpu.memory_space<vmem>> -> memref<1x128xi32, #tpu.memory_space<vmem>>
    %dma_wait3A_94 = tpu.memref_squeeze %dma_wait3A_93 : memref<1x128xi32, #tpu.memory_space<vmem>> -> memref<128xi32, #tpu.memory_space<vmem>>
    %dma_wait3A_95 = arith.constant 0 : i32
    %dma_wait3A_96 = arith.constant 0 : i32
    %dma_wait3A_97 = tpu.memref_slice %arg2[%dma_wait3A_95, %dma_wait3A_96] : memref<507904x128xf32, #tpu.memory_space<hbm>> -> memref<507904x128xf32, #tpu.memory_space<hbm>>
    tpu.wait_indirect_dma semaphore(%arg9 : memref<!tpu.dma_semaphore, #tpu.memory_space<semaphore_mem>>) src(%dma_wait3A_97 : memref<507904x128xf32, #tpu.memory_space<hbm>>) dst(%dma_wait3A_91 : memref<128x128xf32, #tpu.memory_space<vmem>>)
    %dma_wait3A_98 = arith.constant 3 : i32
    %dma_wait3A_99 = arith.constant 384 : i32
    %dma_wait3A_100 = arith.constant 0 : i32
    %dma_wait3A_101 = tpu.memref_slice %arg7[%dma_wait3A_99, %dma_wait3A_100] : memref<512x128xf32, #tpu.memory_space<vmem>> -> memref<128x128xf32, #tpu.memory_space<vmem>>
    %dma_wait3A_102 = arith.constant 0 : i32
    %dma_wait3A_103 = tpu.memref_slice %arg6[%dma_wait3A_98, %dma_wait3A_102] : memref<4x128xi32, #tpu.memory_space<vmem>> -> memref<1x128xi32, #tpu.memory_space<vmem>>
    %dma_wait3A_104 = tpu.memref_squeeze %dma_wait3A_103 : memref<1x128xi32, #tpu.memory_space<vmem>> -> memref<128xi32, #tpu.memory_space<vmem>>
    %dma_wait3A_105 = arith.constant 0 : i32
    %dma_wait3A_106 = arith.constant 0 : i32
    %dma_wait3A_107 = tpu.memref_slice %arg2[%dma_wait3A_105, %dma_wait3A_106] : memref<507904x128xf32, #tpu.memory_space<hbm>> -> memref<507904x128xf32, #tpu.memory_space<hbm>>
    tpu.wait_indirect_dma semaphore(%arg9 : memref<!tpu.dma_semaphore, #tpu.memory_space<semaphore_mem>>) src(%dma_wait3A_107 : memref<507904x128xf32, #tpu.memory_space<hbm>>) dst(%dma_wait3A_101 : memref<128x128xf32, #tpu.memory_space<vmem>>)
    %scan3A_108 = arith.constant 0 : i32
    %scan3A_109 = arith.constant 0 : i32
    %scan3A_110 = arith.constant 32 : i32
    %scan3A_111 = arith.addi %scan3A_109, %scan3A_110 : i32
    %scan3A_112 = arith.constant 1 : i32
    %scan3A_113 = scf.for %scan3A_117 = %scan3A_109 to %scan3A_111 step %scan3A_112 iter_args(%scan3A_118 = %scan3A_108) -> (i32)  : i32 {
      %mul3A_119 = arith.constant 16 : i32
      %mul3A_120 = arith.muli %scan3A_117, %mul3A_119 : i32
      %get3A = arith.index_cast %mul3A_120 : i32 to index
      %get3A_121 = tpu.vector_load %arg5[%get3A] {strides = array<i32>} : memref<512xi32, #tpu.memory_space<vmem>>, vector<16xi32>,
      %get3A_122 = vector.shape_cast %get3A_121 : vector<16xi32> to vector<16xi32>
      %mul3A_123 = arith.constant 16 : i32
      %mul3A_124 = arith.muli %scan3A_117, %mul3A_123 : i32
      %add3A_125 = arith.constant 0 : i32
      %add3A_126 = arith.addi %mul3A_124, %add3A_125 : i32
      %slice3A = vector.extract_strided_slice %get3A_122 {offsets = [0], sizes = [1], strides = [1]} : vector<16xi32> to vector<1xi32>
      %squeeze3A = vector.extract %slice3A[0] : i32 from vector<1xi32>
      %ge3A = arith.constant 499712 : i32
      %ge3A_127 = arith.cmpi sge, %squeeze3A, %ge3A : i32
      %convert_element_type3A = arith.extui %ge3A_127 : i1 to i32
      %mul3A_128 = arith.constant 64 : i32
      %mul3A_129 = arith.muli %convert_element_type3A, %mul3A_128 : i32
      %add3A_130 = arith.constant 0 : i32
      %add3A_131 = arith.addi %mul3A_129, %add3A_130 : i32
      %get3A_132 = arith.index_cast %add3A_126 : i32 to index
      %get3A_133 = arith.index_cast %add3A_131 : i32 to index
      %get3A_134 = tpu.vector_load %arg7[%get3A_132, %get3A_133] {strides = array<i32>} : memref<512x128xf32, #tpu.memory_space<vmem>>, vector<1x16xf32>,
      %get3A_135 = vector.shape_cast %get3A_134 : vector<1x16xf32> to vector<16xf32>
      %mul3A_136 = arith.constant 64 : i32
      %mul3A_137 = arith.muli %add3A_126, %mul3A_136 : i32
      %add3A_138 = arith.constant 0 : i32
      %add3A_139 = arith.addi %mul3A_137, %add3A_138 : i32
      %swap3A = arith.index_cast %add3A_139 : i32 to index
      %swap3A_140 = tpu.vector_load %arg8[%swap3A] {strides = array<i32>} : memref<32768xf32, #tpu.memory_space<vmem>>, vector<16xf32>,
      %swap3A_141 = vector.shape_cast %swap3A_140 : vector<16xf32> to vector<16xf32>
      %swap3A_142 = vector.shape_cast %get3A_135 : vector<16xf32> to vector<16xf32>
      tpu.vector_store %arg8[%swap3A], %swap3A_142 {strides = array<i32>} : memref<32768xf32, #tpu.memory_space<vmem>>, vector<16xf32>,
      %add3A_143 = arith.constant 16 : i32
      %add3A_144 = arith.addi %mul3A_129, %add3A_143 : i32
      %get3A_145 = arith.index_cast %add3A_126 : i32 to index
      %get3A_146 = arith.index_cast %add3A_144 : i32 to index
      %get3A_147 = tpu.vector_load %arg7[%get3A_145, %get3A_146] {strides = array<i32>} : memref<512x128xf32, #tpu.memory_space<vmem>>, vector<1x16xf32>,
      %get3A_148 = vector.shape_cast %get3A_147 : vector<1x16xf32> to vector<16xf32>
      %mul3A_149 = arith.constant 64 : i32
      %mul3A_150 = arith.muli %add3A_126, %mul3A_149 : i32
      %add3A_151 = arith.constant 16 : i32
      %add3A_152 = arith.addi %mul3A_150, %add3A_151 : i32
      %swap3A_153 = arith.index_cast %add3A_152 : i32 to index
      %swap3A_154 = tpu.vector_load %arg8[%swap3A_153] {strides = array<i32>} : memref<32768xf32, #tpu.memory_space<vmem>>, vector<16xf32>,
      %swap3A_155 = vector.shape_cast %swap3A_154 : vector<16xf32> to vector<16xf32>
      %swap3A_156 = vector.shape_cast %get3A_148 : vector<16xf32> to vector<16xf32>
      tpu.vector_store %arg8[%swap3A_153], %swap3A_156 {strides = array<i32>} : memref<32768xf32, #tpu.memory_space<vmem>>, vector<16xf32>,
      %add3A_157 = arith.constant 32 : i32
      %add3A_158 = arith.addi %mul3A_129, %add3A_157 : i32
      %get3A_159 = arith.index_cast %add3A_126 : i32 to index
      %get3A_160 = arith.index_cast %add3A_158 : i32 to index
      %get3A_161 = tpu.vector_load %arg7[%get3A_159, %get3A_160] {strides = array<i32>} : memref<512x128xf32, #tpu.memory_space<vmem>>, vector<1x16xf32>,
      %get3A_162 = vector.shape_cast %get3A_161 : vector<1x16xf32> to vector<16xf32>
      %mul3A_163 = arith.constant 64 : i32
      %mul3A_164 = arith.muli %add3A_126, %mul3A_163 : i32
      %add3A_165 = arith.constant 32 : i32
      %add3A_166 = arith.addi %mul3A_164, %add3A_165 : i32
      %swap3A_167 = arith.index_cast %add3A_166 : i32 to index
      %swap3A_168 = tpu.vector_load %arg8[%swap3A_167] {strides = array<i32>} : memref<32768xf32, #tpu.memory_space<vmem>>, vector<16xf32>,
      %swap3A_169 = vector.shape_cast %swap3A_168 : vector<16xf32> to vector<16xf32>
      %swap3A_170 = vector.shape_cast %get3A_162 : vector<16xf32> to vector<16xf32>
      tpu.vector_store %arg8[%swap3A_167], %swap3A_170 {strides = array<i32>} : memref<32768xf32, #tpu.memory_space<vmem>>, vector<16xf32>,
      %add3A_171 = arith.constant 48 : i32
      %add3A_172 = arith.addi %mul3A_129, %add3A_171 : i32
      %get3A_173 = arith.index_cast %add3A_126 : i32 to index
      %get3A_174 = arith.index_cast %add3A_172 : i32 to index
      %get3A_175 = tpu.vector_load %arg7[%get3A_173, %get3A_174] {strides = array<i32>} : memref<512x128xf32, #tpu.memory_space<vmem>>, vector<1x16xf32>,
      %get3A_176 = vector.shape_cast %get3A_175 : vector<1x16xf32> to vector<16xf32>
      %mul3A_177 = arith.constant 64 : i32
      %mul3A_178 = arith.muli %add3A_126, %mul3A_177 : i32
      %add3A_179 = arith.constant 48 : i32
      %add3A_180 = arith.addi %mul3A_178, %add3A_179 : i32
      %swap3A_181 = arith.index_cast %add3A_180 : i32 to index
      %swap3A_182 = tpu.vector_load %arg8[%swap3A_181] {strides = array<i32>} : memref<32768xf32, #tpu.memory_space<vmem>>, vector<16xf32>,
      %swap3A_183 = vector.shape_cast %swap3A_182 : vector<16xf32> to vector<16xf32>
      %swap3A_184 = vector.shape_cast %get3A_176 : vector<16xf32> to vector<16xf32>
      tpu.vector_store %arg8[%swap3A_181], %swap3A_184 {strides = array<i32>} : memref<32768xf32, #tpu.memory_space<vmem>>, vector<16xf32>,
      %mul3A_185 = arith.constant 16 : i32
      %mul3A_186 = arith.muli %scan3A_117, %mul3A_185 : i32
      %add3A_187 = arith.constant 1 : i32
      %add3A_188 = arith.addi %mul3A_186, %add3A_187 : i32
      %slice3A_189 = vector.extract_strided_slice %get3A_122 {offsets = [1], sizes = [1], strides = [1]} : vector<16xi32> to vector<1xi32>
      %squeeze3A_190 = vector.extract %slice3A_189[0] : i32 from vector<1xi32>
      %ge3A_191 = arith.constant 499712 : i32
      %ge3A_192 = arith.cmpi sge, %squeeze3A_190, %ge3A_191 : i32
      %convert_element_type3A_193 = arith.extui %ge3A_192 : i1 to i32
      %mul3A_194 = arith.constant 64 : i32
      %mul3A_195 = arith.muli %convert_element_type3A_193, %mul3A_194 : i32
      %add3A_196 = arith.constant 0 : i32
      %add3A_197 = arith.addi %mul3A_195, %add3A_196 : i32
      %get3A_198 = arith.index_cast %add3A_188 : i32 to index
      %get3A_199 = arith.index_cast %add3A_197 : i32 to index
      %get3A_200 = tpu.vector_load %arg7[%get3A_198, %get3A_199] {strides = array<i32>} : memref<512x128xf32, #tpu.memory_space<vmem>>, vector<1x16xf32>,
      %get3A_201 = vector.shape_cast %get3A_200 : vector<1x16xf32> to vector<16xf32>
      %mul3A_202 = arith.constant 64 : i32
      %mul3A_203 = arith.muli %add3A_188, %mul3A_202 : i32
      %add3A_204 = arith.constant 0 : i32
      %add3A_205 = arith.addi %mul3A_203, %add3A_204 : i32
      %swap3A_206 = arith.index_cast %add3A_205 : i32 to index
      %swap3A_207 = tpu.vector_load %arg8[%swap3A_206] {strides = array<i32>} : memref<32768xf32, #tpu.memory_space<vmem>>, vector<16xf32>,
      %swap3A_208 = vector.shape_cast %swap3A_207 : vector<16xf32> to vector<16xf32>
      %swap3A_209 = vector.shape_cast %get3A_201 : vector<16xf32> to vector<16xf32>
      tpu.vector_store %arg8[%swap3A_206], %swap3A_209 {strides = array<i32>} : memref<32768xf32, #tpu.memory_space<vmem>>, vector<16xf32>,
      %add3A_210 = arith.constant 16 : i32
      %add3A_211 = arith.addi %mul3A_195, %add3A_210 : i32
      %get3A_212 = arith.index_cast %add3A_188 : i32 to index
      %get3A_213 = arith.index_cast %add3A_211 : i32 to index
      %get3A_214 = tpu.vector_load %arg7[%get3A_212, %get3A_213] {strides = array<i32>} : memref<512x128xf32, #tpu.memory_space<vmem>>, vector<1x16xf32>,
      %get3A_215 = vector.shape_cast %get3A_214 : vector<1x16xf32> to vector<16xf32>
      %mul3A_216 = arith.constant 64 : i32
      %mul3A_217 = arith.muli %add3A_188, %mul3A_216 : i32
      %add3A_218 = arith.constant 16 : i32
      %add3A_219 = arith.addi %mul3A_217, %add3A_218 : i32
      %swap3A_220 = arith.index_cast %add3A_219 : i32 to index
      %swap3A_221 = tpu.vector_load %arg8[%swap3A_220] {strides = array<i32>} : memref<32768xf32, #tpu.memory_space<vmem>>, vector<16xf32>,
      %swap3A_222 = vector.shape_cast %swap3A_221 : vector<16xf32> to vector<16xf32>
      %swap3A_223 = vector.shape_cast %get3A_215 : vector<16xf32> to vector<16xf32>
      tpu.vector_store %arg8[%swap3A_220], %swap3A_223 {strides = array<i32>} : memref<32768xf32, #tpu.memory_space<vmem>>, vector<16xf32>,
      %add3A_224 = arith.constant 32 : i32
      %add3A_225 = arith.addi %mul3A_195, %add3A_224 : i32
      %get3A_226 = arith.index_cast %add3A_188 : i32 to index
      %get3A_227 = arith.index_cast %add3A_225 : i32 to index
      %get3A_228 = tpu.vector_load %arg7[%get3A_226, %get3A_227] {strides = array<i32>} : memref<512x128xf32, #tpu.memory_space<vmem>>, vector<1x16xf32>,
      %get3A_229 = vector.shape_cast %get3A_228 : vector<1x16xf32> to vector<16xf32>
      %mul3A_230 = arith.constant 64 : i32
      %mul3A_231 = arith.muli %add3A_188, %mul3A_230 : i32
      %add3A_232 = arith.constant 32 : i32
      %add3A_233 = arith.addi %mul3A_231, %add3A_232 : i32
      %swap3A_234 = arith.index_cast %add3A_233 : i32 to index
      %swap3A_235 = tpu.vector_load %arg8[%swap3A_234] {strides = array<i32>} : memref<32768xf32, #tpu.memory_space<vmem>>, vector<16xf32>,
      %swap3A_236 = vector.shape_cast %swap3A_235 : vector<16xf32> to vector<16xf32>
      %swap3A_237 = vector.shape_cast %get3A_229 : vector<16xf32> to vector<16xf32>
      tpu.vector_store %arg8[%swap3A_234], %swap3A_237 {strides = array<i32>} : memref<32768xf32, #tpu.memory_space<vmem>>, vector<16xf32>,
      %add3A_238 = arith.constant 48 : i32
      %add3A_239 = arith.addi %mul3A_195, %add3A_238 : i32
      %get3A_240 = arith.index_cast %add3A_188 : i32 to index
      %get3A_241 = arith.index_cast %add3A_239 : i32 to index
      %get3A_242 = tpu.vector_load %arg7[%get3A_240, %get3A_241] {strides = array<i32>} : memref<512x128xf32, #tpu.memory_space<vmem>>, vector<1x16xf32>,
      %get3A_243 = vector.shape_cast %get3A_242 : vector<1x16xf32> to vector<16xf32>
      %mul3A_244 = arith.constant 64 : i32
      %mul3A_245 = arith.muli %add3A_188, %mul3A_244 : i32
      %add3A_246 = arith.constant 48 : i32
      %add3A_247 = arith.addi %mul3A_245, %add3A_246 : i32
      %swap3A_248 = arith.index_cast %add3A_247 : i32 to index
      %swap3A_249 = tpu.vector_load %arg8[%swap3A_248] {strides = array<i32>} : memref<32768xf32, #tpu.memory_space<vmem>>, vector<16xf32>,
      %swap3A_250 = vector.shape_cast %swap3A_249 : vector<16xf32> to vector<16xf32>
      %swap3A_251 = vector.shape_cast %get3A_243 : vector<16xf32> to vector<16xf32>
      tpu.vector_store %arg8[%swap3A_248], %swap3A_251 {strides = array<i32>} : memref<32768xf32, #tpu.memory_space<vmem>>, vector<16xf32>,
      %mul3A_252 = arith.constant 16 : i32
      %mul3A_253 = arith.muli %scan3A_117, %mul3A_252 : i32
      %add3A_254 = arith.constant 2 : i32
      %add3A_255 = arith.addi %mul3A_253, %add3A_254 : i32
      %slice3A_256 = vector.extract_strided_slice %get3A_122 {offsets = [2], sizes = [1], strides = [1]} : vector<16xi32> to vector<1xi32>
      %squeeze3A_257 = vector.extract %slice3A_256[0] : i32 from vector<1xi32>
      %ge3A_258 = arith.constant 499712 : i32
      %ge3A_259 = arith.cmpi sge, %squeeze3A_257, %ge3A_258 : i32
      %convert_element_type3A_260 = arith.extui %ge3A_259 : i1 to i32
      %mul3A_261 = arith.constant 64 : i32
      %mul3A_262 = arith.muli %convert_element_type3A_260, %mul3A_261 : i32
      %add3A_263 = arith.constant 0 : i32
      %add3A_264 = arith.addi %mul3A_262, %add3A_263 : i32
      %get3A_265 = arith.index_cast %add3A_255 : i32 to index
      %get3A_266 = arith.index_cast %add3A_264 : i32 to index
      %get3A_267 = tpu.vector_load %arg7[%get3A_265, %get3A_266] {strides = array<i32>} : memref<512x128xf32, #tpu.memory_space<vmem>>, vector<1x16xf32>,
      %get3A_268 = vector.shape_cast %get3A_267 : vector<1x16xf32> to vector<16xf32>
      %mul3A_269 = arith.constant 64 : i32
      %mul3A_270 = arith.muli %add3A_255, %mul3A_269 : i32
      %add3A_271 = arith.constant 0 : i32
      %add3A_272 = arith.addi %mul3A_270, %add3A_271 : i32
      %swap3A_273 = arith.index_cast %add3A_272 : i32 to index
      %swap3A_274 = tpu.vector_load %arg8[%swap3A_273] {strides = array<i32>} : memref<32768xf32, #tpu.memory_space<vmem>>, vector<16xf32>,
      %swap3A_275 = vector.shape_cast %swap3A_274 : vector<16xf32> to vector<16xf32>
      %swap3A_276 = vector.shape_cast %get3A_268 : vector<16xf32> to vector<16xf32>
      tpu.vector_store %arg8[%swap3A_273], %swap3A_276 {strides = array<i32>} : memref<32768xf32, #tpu.memory_space<vmem>>, vector<16xf32>,
      %add3A_277 = arith.constant 16 : i32
      %add3A_278 = arith.addi %mul3A_262, %add3A_277 : i32
      %get3A_279 = arith.index_cast %add3A_255 : i32 to index
      %get3A_280 = arith.index_cast %add3A_278 : i32 to index
      %get3A_281 = tpu.vector_load %arg7[%get3A_279, %get3A_280] {strides = array<i32>} : memref<512x128xf32, #tpu.memory_space<vmem>>, vector<1x16xf32>,
      %get3A_282 = vector.shape_cast %get3A_281 : vector<1x16xf32> to vector<16xf32>
      %mul3A_283 = arith.constant 64 : i32
      %mul3A_284 = arith.muli %add3A_255, %mul3A_283 : i32
      %add3A_285 = arith.constant 16 : i32
      %add3A_286 = arith.addi %mul3A_284, %add3A_285 : i32
      %swap3A_287 = arith.index_cast %add3A_286 : i32 to index
      %swap3A_288 = tpu.vector_load %arg8[%swap3A_287] {strides = array<i32>} : memref<32768xf32, #tpu.memory_space<vmem>>, vector<16xf32>,
      %swap3A_289 = vector.shape_cast %swap3A_288 : vector<16xf32> to vector<16xf32>
      %swap3A_290 = vector.shape_cast %get3A_282 : vector<16xf32> to vector<16xf32>
      tpu.vector_store %arg8[%swap3A_287], %swap3A_290 {strides = array<i32>} : memref<32768xf32, #tpu.memory_space<vmem>>, vector<16xf32>,
      %add3A_291 = arith.constant 32 : i32
      %add3A_292 = arith.addi %mul3A_262, %add3A_291 : i32
      %get3A_293 = arith.index_cast %add3A_255 : i32 to index
      %get3A_294 = arith.index_cast %add3A_292 : i32 to index
      %get3A_295 = tpu.vector_load %arg7[%get3A_293, %get3A_294] {strides = array<i32>} : memref<512x128xf32, #tpu.memory_space<vmem>>, vector<1x16xf32>,
      %get3A_296 = vector.shape_cast %get3A_295 : vector<1x16xf32> to vector<16xf32>
      %mul3A_297 = arith.constant 64 : i32
      %mul3A_298 = arith.muli %add3A_255, %mul3A_297 : i32
      %add3A_299 = arith.constant 32 : i32
      %add3A_300 = arith.addi %mul3A_298, %add3A_299 : i32
      %swap3A_301 = arith.index_cast %add3A_300 : i32 to index
      %swap3A_302 = tpu.vector_load %arg8[%swap3A_301] {strides = array<i32>} : memref<32768xf32, #tpu.memory_space<vmem>>, vector<16xf32>,
      %swap3A_303 = vector.shape_cast %swap3A_302 : vector<16xf32> to vector<16xf32>
      %swap3A_304 = vector.shape_cast %get3A_296 : vector<16xf32> to vector<16xf32>
      tpu.vector_store %arg8[%swap3A_301], %swap3A_304 {strides = array<i32>} : memref<32768xf32, #tpu.memory_space<vmem>>, vector<16xf32>,
      %add3A_305 = arith.constant 48 : i32
      %add3A_306 = arith.addi %mul3A_262, %add3A_305 : i32
      %get3A_307 = arith.index_cast %add3A_255 : i32 to index
      %get3A_308 = arith.index_cast %add3A_306 : i32 to index
      %get3A_309 = tpu.vector_load %arg7[%get3A_307, %get3A_308] {strides = array<i32>} : memref<512x128xf32, #tpu.memory_space<vmem>>, vector<1x16xf32>,
      %get3A_310 = vector.shape_cast %get3A_309 : vector<1x16xf32> to vector<16xf32>
      %mul3A_311 = arith.constant 64 : i32
      %mul3A_312 = arith.muli %add3A_255, %mul3A_311 : i32
      %add3A_313 = arith.constant 48 : i32
      %add3A_314 = arith.addi %mul3A_312, %add3A_313 : i32
      %swap3A_315 = arith.index_cast %add3A_314 : i32 to index
      %swap3A_316 = tpu.vector_load %arg8[%swap3A_315] {strides = array<i32>} : memref<32768xf32, #tpu.memory_space<vmem>>, vector<16xf32>,
      %swap3A_317 = vector.shape_cast %swap3A_316 : vector<16xf32> to vector<16xf32>
      %swap3A_318 = vector.shape_cast %get3A_310 : vector<16xf32> to vector<16xf32>
      tpu.vector_store %arg8[%swap3A_315], %swap3A_318 {strides = array<i32>} : memref<32768xf32, #tpu.memory_space<vmem>>, vector<16xf32>,
      %mul3A_319 = arith.constant 16 : i32
      %mul3A_320 = arith.muli %scan3A_117, %mul3A_319 : i32
      %add3A_321 = arith.constant 3 : i32
      %add3A_322 = arith.addi %mul3A_320, %add3A_321 : i32
      %slice3A_323 = vector.extract_strided_slice %get3A_122 {offsets = [3], sizes = [1], strides = [1]} : vector<16xi32> to vector<1xi32>
      %squeeze3A_324 = vector.extract %slice3A_323[0] : i32 from vector<1xi32>
      %ge3A_325 = arith.constant 499712 : i32
      %ge3A_326 = arith.cmpi sge, %squeeze3A_324, %ge3A_325 : i32
      %convert_element_type3A_327 = arith.extui %ge3A_326 : i1 to i32
      %mul3A_328 = arith.constant 64 : i32
      %mul3A_329 = arith.muli %convert_element_type3A_327, %mul3A_328 : i32
      %add3A_330 = arith.constant 0 : i32
      %add3A_331 = arith.addi %mul3A_329, %add3A_330 : i32
      %get3A_332 = arith.index_cast %add3A_322 : i32 to index
      %get3A_333 = arith.index_cast %add3A_331 : i32 to index
      %get3A_334 = tpu.vector_load %arg7[%get3A_332, %get3A_333] {strides = array<i32>} : memref<512x128xf32, #tpu.memory_space<vmem>>, vector<1x16xf32>,
      %get3A_335 = vector.shape_cast %get3A_334 : vector<1x16xf32> to vector<16xf32>
      %mul3A_336 = arith.constant 64 : i32
      %mul3A_337 = arith.muli %add3A_322, %mul3A_336 : i32
      %add3A_338 = arith.constant 0 : i32
      %add3A_339 = arith.addi %mul3A_337, %add3A_338 : i32
      %swap3A_340 = arith.index_cast %add3A_339 : i32 to index
      %swap3A_341 = tpu.vector_load %arg8[%swap3A_340] {strides = array<i32>} : memref<32768xf32, #tpu.memory_space<vmem>>, vector<16xf32>,
      %swap3A_342 = vector.shape_cast %swap3A_341 : vector<16xf32> to vector<16xf32>
      %swap3A_343 = vector.shape_cast %get3A_335 : vector<16xf32> to vector<16xf32>
      tpu.vector_store %arg8[%swap3A_340], %swap3A_343 {strides = array<i32>} : memref<32768xf32, #tpu.memory_space<vmem>>, vector<16xf32>,
      %add3A_344 = arith.constant 16 : i32
      %add3A_345 = arith.addi %mul3A_329, %add3A_344 : i32
      %get3A_346 = arith.index_cast %add3A_322 : i32 to index
      %get3A_347 = arith.index_cast %add3A_345 : i32 to index
      %get3A_348 = tpu.vector_load %arg7[%get3A_346, %get3A_347] {strides = array<i32>} : memref<512x128xf32, #tpu.memory_space<vmem>>, vector<1x16xf32>,
      %get3A_349 = vector.shape_cast %get3A_348 : vector<1x16xf32> to vector<16xf32>
      %mul3A_350 = arith.constant 64 : i32
      %mul3A_351 = arith.muli %add3A_322, %mul3A_350 : i32
      %add3A_352 = arith.constant 16 : i32
      %add3A_353 = arith.addi %mul3A_351, %add3A_352 : i32
      %swap3A_354 = arith.index_cast %add3A_353 : i32 to index
      %swap3A_355 = tpu.vector_load %arg8[%swap3A_354] {strides = array<i32>} : memref<32768xf32, #tpu.memory_space<vmem>>, vector<16xf32>,
      %swap3A_356 = vector.shape_cast %swap3A_355 : vector<16xf32> to vector<16xf32>
      %swap3A_357 = vector.shape_cast %get3A_349 : vector<16xf32> to vector<16xf32>
      tpu.vector_store %arg8[%swap3A_354], %swap3A_357 {strides = array<i32>} : memref<32768xf32, #tpu.memory_space<vmem>>, vector<16xf32>,
      %add3A_358 = arith.constant 32 : i32
      %add3A_359 = arith.addi %mul3A_329, %add3A_358 : i32
      %get3A_360 = arith.index_cast %add3A_322 : i32 to index
      %get3A_361 = arith.index_cast %add3A_359 : i32 to index
      %get3A_362 = tpu.vector_load %arg7[%get3A_360, %get3A_361] {strides = array<i32>} : memref<512x128xf32, #tpu.memory_space<vmem>>, vector<1x16xf32>,
      %get3A_363 = vector.shape_cast %get3A_362 : vector<1x16xf32> to vector<16xf32>
      %mul3A_364 = arith.constant 64 : i32
      %mul3A_365 = arith.muli %add3A_322, %mul3A_364 : i32
      %add3A_366 = arith.constant 32 : i32
      %add3A_367 = arith.addi %mul3A_365, %add3A_366 : i32
      %swap3A_368 = arith.index_cast %add3A_367 : i32 to index
      %swap3A_369 = tpu.vector_load %arg8[%swap3A_368] {strides = array<i32>} : memref<32768xf32, #tpu.memory_space<vmem>>, vector<16xf32>,
      %swap3A_370 = vector.shape_cast %swap3A_369 : vector<16xf32> to vector<16xf32>
      %swap3A_371 = vector.shape_cast %get3A_363 : vector<16xf32> to vector<16xf32>
      tpu.vector_store %arg8[%swap3A_368], %swap3A_371 {strides = array<i32>} : memref<32768xf32, #tpu.memory_space<vmem>>, vector<16xf32>,
      %add3A_372 = arith.constant 48 : i32
      %add3A_373 = arith.addi %mul3A_329, %add3A_372 : i32
      %get3A_374 = arith.index_cast %add3A_322 : i32 to index
      %get3A_375 = arith.index_cast %add3A_373 : i32 to index
      %get3A_376 = tpu.vector_load %arg7[%get3A_374, %get3A_375] {strides = array<i32>} : memref<512x128xf32, #tpu.memory_space<vmem>>, vector<1x16xf32>,
      %get3A_377 = vector.shape_cast %get3A_376 : vector<1x16xf32> to vector<16xf32>
      %mul3A_378 = arith.constant 64 : i32
      %mul3A_379 = arith.muli %add3A_322, %mul3A_378 : i32
      %add3A_380 = arith.constant 48 : i32
      %add3A_381 = arith.addi %mul3A_379, %add3A_380 : i32
      %swap3A_382 = arith.index_cast %add3A_381 : i32 to index
      %swap3A_383 = tpu.vector_load %arg8[%swap3A_382] {strides = array<i32>} : memref<32768xf32, #tpu.memory_space<vmem>>, vector<16xf32>,
      %swap3A_384 = vector.shape_cast %swap3A_383 : vector<16xf32> to vector<16xf32>
      %swap3A_385 = vector.shape_cast %get3A_377 : vector<16xf32> to vector<16xf32>
      tpu.vector_store %arg8[%swap3A_382], %swap3A_385 {strides = array<i32>} : memref<32768xf32, #tpu.memory_space<vmem>>, vector<16xf32>,
      %mul3A_386 = arith.constant 16 : i32
      %mul3A_387 = arith.muli %scan3A_117, %mul3A_386 : i32
      %add3A_388 = arith.constant 4 : i32
      %add3A_389 = arith.addi %mul3A_387, %add3A_388 : i32
      %slice3A_390 = vector.extract_strided_slice %get3A_122 {offsets = [4], sizes = [1], strides = [1]} : vector<16xi32> to vector<1xi32>
      %squeeze3A_391 = vector.extract %slice3A_390[0] : i32 from vector<1xi32>
      %ge3A_392 = arith.constant 499712 : i32
      %ge3A_393 = arith.cmpi sge, %squeeze3A_391, %ge3A_392 : i32
      %convert_element_type3A_394 = arith.extui %ge3A_393 : i1 to i32
      %mul3A_395 = arith.constant 64 : i32
      %mul3A_396 = arith.muli %convert_element_type3A_394, %mul3A_395 : i32
      %add3A_397 = arith.constant 0 : i32
      %add3A_398 = arith.addi %mul3A_396, %add3A_397 : i32
      %get3A_399 = arith.index_cast %add3A_389 : i32 to index
      %get3A_400 = arith.index_cast %add3A_398 : i32 to index
      %get3A_401 = tpu.vector_load %arg7[%get3A_399, %get3A_400] {strides = array<i32>} : memref<512x128xf32, #tpu.memory_space<vmem>>, vector<1x16xf32>,
      %get3A_402 = vector.shape_cast %get3A_401 : vector<1x16xf32> to vector<16xf32>
      %mul3A_403 = arith.constant 64 : i32
      %mul3A_404 = arith.muli %add3A_389, %mul3A_403 : i32
      %add3A_405 = arith.constant 0 : i32
      %add3A_406 = arith.addi %mul3A_404, %add3A_405 : i32
      %swap3A_407 = arith.index_cast %add3A_406 : i32 to index
      %swap3A_408 = tpu.vector_load %arg8[%swap3A_407] {strides = array<i32>} : memref<32768xf32, #tpu.memory_space<vmem>>, vector<16xf32>,
      %swap3A_409 = vector.shape_cast %swap3A_408 : vector<16xf32> to vector<16xf32>
      %swap3A_410 = vector.shape_cast %get3A_402 : vector<16xf32> to vector<16xf32>
      tpu.vector_store %arg8[%swap3A_407], %swap3A_410 {strides = array<i32>} : memref<32768xf32, #tpu.memory_space<vmem>>, vector<16xf32>,
      %add3A_411 = arith.constant 16 : i32
      %add3A_412 = arith.addi %mul3A_396, %add3A_411 : i32
      %get3A_413 = arith.index_cast %add3A_389 : i32 to index
      %get3A_414 = arith.index_cast %add3A_412 : i32 to index
      %get3A_415 = tpu.vector_load %arg7[%get3A_413, %get3A_414] {strides = array<i32>} : memref<512x128xf32, #tpu.memory_space<vmem>>, vector<1x16xf32>,
      %get3A_416 = vector.shape_cast %get3A_415 : vector<1x16xf32> to vector<16xf32>
      %mul3A_417 = arith.constant 64 : i32
      %mul3A_418 = arith.muli %add3A_389, %mul3A_417 : i32
      %add3A_419 = arith.constant 16 : i32
      %add3A_420 = arith.addi %mul3A_418, %add3A_419 : i32
      %swap3A_421 = arith.index_cast %add3A_420 : i32 to index
      %swap3A_422 = tpu.vector_load %arg8[%swap3A_421] {strides = array<i32>} : memref<32768xf32, #tpu.memory_space<vmem>>, vector<16xf32>,
      %swap3A_423 = vector.shape_cast %swap3A_422 : vector<16xf32> to vector<16xf32>
      %swap3A_424 = vector.shape_cast %get3A_416 : vector<16xf32> to vector<16xf32>
      tpu.vector_store %arg8[%swap3A_421], %swap3A_424 {strides = array<i32>} : memref<32768xf32, #tpu.memory_space<vmem>>, vector<16xf32>,
      %add3A_425 = arith.constant 32 : i32
      %add3A_426 = arith.addi %mul3A_396, %add3A_425 : i32
      %get3A_427 = arith.index_cast %add3A_389 : i32 to index
      %get3A_428 = arith.index_cast %add3A_426 : i32 to index
      %get3A_429 = tpu.vector_load %arg7[%get3A_427, %get3A_428] {strides = array<i32>} : memref<512x128xf32, #tpu.memory_space<vmem>>, vector<1x16xf32>,
      %get3A_430 = vector.shape_cast %get3A_429 : vector<1x16xf32> to vector<16xf32>
      %mul3A_431 = arith.constant 64 : i32
      %mul3A_432 = arith.muli %add3A_389, %mul3A_431 : i32
      %add3A_433 = arith.constant 32 : i32
      %add3A_434 = arith.addi %mul3A_432, %add3A_433 : i32
      %swap3A_435 = arith.index_cast %add3A_434 : i32 to index
      %swap3A_436 = tpu.vector_load %arg8[%swap3A_435] {strides = array<i32>} : memref<32768xf32, #tpu.memory_space<vmem>>, vector<16xf32>,
      %swap3A_437 = vector.shape_cast %swap3A_436 : vector<16xf32> to vector<16xf32>
      %swap3A_438 = vector.shape_cast %get3A_430 : vector<16xf32> to vector<16xf32>
      tpu.vector_store %arg8[%swap3A_435], %swap3A_438 {strides = array<i32>} : memref<32768xf32, #tpu.memory_space<vmem>>, vector<16xf32>,
      %add3A_439 = arith.constant 48 : i32
      %add3A_440 = arith.addi %mul3A_396, %add3A_439 : i32
      %get3A_441 = arith.index_cast %add3A_389 : i32 to index
      %get3A_442 = arith.index_cast %add3A_440 : i32 to index
      %get3A_443 = tpu.vector_load %arg7[%get3A_441, %get3A_442] {strides = array<i32>} : memref<512x128xf32, #tpu.memory_space<vmem>>, vector<1x16xf32>,
      %get3A_444 = vector.shape_cast %get3A_443 : vector<1x16xf32> to vector<16xf32>
      %mul3A_445 = arith.constant 64 : i32
      %mul3A_446 = arith.muli %add3A_389, %mul3A_445 : i32
      %add3A_447 = arith.constant 48 : i32
      %add3A_448 = arith.addi %mul3A_446, %add3A_447 : i32
      %swap3A_449 = arith.index_cast %add3A_448 : i32 to index
      %swap3A_450 = tpu.vector_load %arg8[%swap3A_449] {strides = array<i32>} : memref<32768xf32, #tpu.memory_space<vmem>>, vector<16xf32>,
      %swap3A_451 = vector.shape_cast %swap3A_450 : vector<16xf32> to vector<16xf32>
      %swap3A_452 = vector.shape_cast %get3A_444 : vector<16xf32> to vector<16xf32>
      tpu.vector_store %arg8[%swap3A_449], %swap3A_452 {strides = array<i32>} : memref<32768xf32, #tpu.memory_space<vmem>>, vector<16xf32>,
      %mul3A_453 = arith.constant 16 : i32
      %mul3A_454 = arith.muli %scan3A_117, %mul3A_453 : i32
      %add3A_455 = arith.constant 5 : i32
      %add3A_456 = arith.addi %mul3A_454, %add3A_455 : i32
      %slice3A_457 = vector.extract_strided_slice %get3A_122 {offsets = [5], sizes = [1], strides = [1]} : vector<16xi32> to vector<1xi32>
      %squeeze3A_458 = vector.extract %slice3A_457[0] : i32 from vector<1xi32>
      %ge3A_459 = arith.constant 499712 : i32
      %ge3A_460 = arith.cmpi sge, %squeeze3A_458, %ge3A_459 : i32
      %convert_element_type3A_461 = arith.extui %ge3A_460 : i1 to i32
      %mul3A_462 = arith.constant 64 : i32
      %mul3A_463 = arith.muli %convert_element_type3A_461, %mul3A_462 : i32
      %add3A_464 = arith.constant 0 : i32
      %add3A_465 = arith.addi %mul3A_463, %add3A_464 : i32
      %get3A_466 = arith.index_cast %add3A_456 : i32 to index
      %get3A_467 = arith.index_cast %add3A_465 : i32 to index
      %get3A_468 = tpu.vector_load %arg7[%get3A_466, %get3A_467] {strides = array<i32>} : memref<512x128xf32, #tpu.memory_space<vmem>>, vector<1x16xf32>,
      %get3A_469 = vector.shape_cast %get3A_468 : vector<1x16xf32> to vector<16xf32>
      %mul3A_470 = arith.constant 64 : i32
      %mul3A_471 = arith.muli %add3A_456, %mul3A_470 : i32
      %add3A_472 = arith.constant 0 : i32
      %add3A_473 = arith.addi %mul3A_471, %add3A_472 : i32
      %swap3A_474 = arith.index_cast %add3A_473 : i32 to index
      %swap3A_475 = tpu.vector_load %arg8[%swap3A_474] {strides = array<i32>} : memref<32768xf32, #tpu.memory_space<vmem>>, vector<16xf32>,
      %swap3A_476 = vector.shape_cast %swap3A_475 : vector<16xf32> to vector<16xf32>
      %swap3A_477 = vector.shape_cast %get3A_469 : vector<16xf32> to vector<16xf32>
      tpu.vector_store %arg8[%swap3A_474], %swap3A_477 {strides = array<i32>} : memref<32768xf32, #tpu.memory_space<vmem>>, vector<16xf32>,
      %add3A_478 = arith.constant 16 : i32
      %add3A_479 = arith.addi %mul3A_463, %add3A_478 : i32
      %get3A_480 = arith.index_cast %add3A_456 : i32 to index
      %get3A_481 = arith.index_cast %add3A_479 : i32 to index
      %get3A_482 = tpu.vector_load %arg7[%get3A_480, %get3A_481] {strides = array<i32>} : memref<512x128xf32, #tpu.memory_space<vmem>>, vector<1x16xf32>,
      %get3A_483 = vector.shape_cast %get3A_482 : vector<1x16xf32> to vector<16xf32>
      %mul3A_484 = arith.constant 64 : i32
      %mul3A_485 = arith.muli %add3A_456, %mul3A_484 : i32
      %add3A_486 = arith.constant 16 : i32
      %add3A_487 = arith.addi %mul3A_485, %add3A_486 : i32
      %swap3A_488 = arith.index_cast %add3A_487 : i32 to index
      %swap3A_489 = tpu.vector_load %arg8[%swap3A_488] {strides = array<i32>} : memref<32768xf32, #tpu.memory_space<vmem>>, vector<16xf32>,
      %swap3A_490 = vector.shape_cast %swap3A_489 : vector<16xf32> to vector<16xf32>
      %swap3A_491 = vector.shape_cast %get3A_483 : vector<16xf32> to vector<16xf32>
      tpu.vector_store %arg8[%swap3A_488], %swap3A_491 {strides = array<i32>} : memref<32768xf32, #tpu.memory_space<vmem>>, vector<16xf32>,
      %add3A_492 = arith.constant 32 : i32
      %add3A_493 = arith.addi %mul3A_463, %add3A_492 : i32
      %get3A_494 = arith.index_cast %add3A_456 : i32 to index
      %get3A_495 = arith.index_cast %add3A_493 : i32 to index
      %get3A_496 = tpu.vector_load %arg7[%get3A_494, %get3A_495] {strides = array<i32>} : memref<512x128xf32, #tpu.memory_space<vmem>>, vector<1x16xf32>,
      %get3A_497 = vector.shape_cast %get3A_496 : vector<1x16xf32> to vector<16xf32>
      %mul3A_498 = arith.constant 64 : i32
      %mul3A_499 = arith.muli %add3A_456, %mul3A_498 : i32
      %add3A_500 = arith.constant 32 : i32
      %add3A_501 = arith.addi %mul3A_499, %add3A_500 : i32
      %swap3A_502 = arith.index_cast %add3A_501 : i32 to index
      %swap3A_503 = tpu.vector_load %arg8[%swap3A_502] {strides = array<i32>} : memref<32768xf32, #tpu.memory_space<vmem>>, vector<16xf32>,
      %swap3A_504 = vector.shape_cast %swap3A_503 : vector<16xf32> to vector<16xf32>
      %swap3A_505 = vector.shape_cast %get3A_497 : vector<16xf32> to vector<16xf32>
      tpu.vector_store %arg8[%swap3A_502], %swap3A_505 {strides = array<i32>} : memref<32768xf32, #tpu.memory_space<vmem>>, vector<16xf32>,
      %add3A_506 = arith.constant 48 : i32
      %add3A_507 = arith.addi %mul3A_463, %add3A_506 : i32
      %get3A_508 = arith.index_cast %add3A_456 : i32 to index
      %get3A_509 = arith.index_cast %add3A_507 : i32 to index
      %get3A_510 = tpu.vector_load %arg7[%get3A_508, %get3A_509] {strides = array<i32>} : memref<512x128xf32, #tpu.memory_space<vmem>>, vector<1x16xf32>,
      %get3A_511 = vector.shape_cast %get3A_510 : vector<1x16xf32> to vector<16xf32>
      %mul3A_512 = arith.constant 64 : i32
      %mul3A_513 = arith.muli %add3A_456, %mul3A_512 : i32
      %add3A_514 = arith.constant 48 : i32
      %add3A_515 = arith.addi %mul3A_513, %add3A_514 : i32
      %swap3A_516 = arith.index_cast %add3A_515 : i32 to index
      %swap3A_517 = tpu.vector_load %arg8[%swap3A_516] {strides = array<i32>} : memref<32768xf32, #tpu.memory_space<vmem>>, vector<16xf32>,
      %swap3A_518 = vector.shape_cast %swap3A_517 : vector<16xf32> to vector<16xf32>
      %swap3A_519 = vector.shape_cast %get3A_511 : vector<16xf32> to vector<16xf32>
      tpu.vector_store %arg8[%swap3A_516], %swap3A_519 {strides = array<i32>} : memref<32768xf32, #tpu.memory_space<vmem>>, vector<16xf32>,
      %mul3A_520 = arith.constant 16 : i32
      %mul3A_521 = arith.muli %scan3A_117, %mul3A_520 : i32
      %add3A_522 = arith.constant 6 : i32
      %add3A_523 = arith.addi %mul3A_521, %add3A_522 : i32
      %slice3A_524 = vector.extract_strided_slice %get3A_122 {offsets = [6], sizes = [1], strides = [1]} : vector<16xi32> to vector<1xi32>
      %squeeze3A_525 = vector.extract %slice3A_524[0] : i32 from vector<1xi32>
      %ge3A_526 = arith.constant 499712 : i32
      %ge3A_527 = arith.cmpi sge, %squeeze3A_525, %ge3A_526 : i32
      %convert_element_type3A_528 = arith.extui %ge3A_527 : i1 to i32
      %mul3A_529 = arith.constant 64 : i32
      %mul3A_530 = arith.muli %convert_element_type3A_528, %mul3A_529 : i32
      %add3A_531 = arith.constant 0 : i32
      %add3A_532 = arith.addi %mul3A_530, %add3A_531 : i32
      %get3A_533 = arith.index_cast %add3A_523 : i32 to index
      %get3A_534 = arith.index_cast %add3A_532 : i32 to index
      %get3A_535 = tpu.vector_load %arg7[%get3A_533, %get3A_534] {strides = array<i32>} : memref<512x128xf32, #tpu.memory_space<vmem>>, vector<1x16xf32>,
      %get3A_536 = vector.shape_cast %get3A_535 : vector<1x16xf32> to vector<16xf32>
      %mul3A_537 = arith.constant 64 : i32
      %mul3A_538 = arith.muli %add3A_523, %mul3A_537 : i32
      %add3A_539 = arith.constant 0 : i32
      %add3A_540 = arith.addi %mul3A_538, %add3A_539 : i32
      %swap3A_541 = arith.index_cast %add3A_540 : i32 to index
      %swap3A_542 = tpu.vector_load %arg8[%swap3A_541] {strides = array<i32>} : memref<32768xf32, #tpu.memory_space<vmem>>, vector<16xf32>,
      %swap3A_543 = vector.shape_cast %swap3A_542 : vector<16xf32> to vector<16xf32>
      %swap3A_544 = vector.shape_cast %get3A_536 : vector<16xf32> to vector<16xf32>
      tpu.vector_store %arg8[%swap3A_541], %swap3A_544 {strides = array<i32>} : memref<32768xf32, #tpu.memory_space<vmem>>, vector<16xf32>,
      %add3A_545 = arith.constant 16 : i32
      %add3A_546 = arith.addi %mul3A_530, %add3A_545 : i32
      %get3A_547 = arith.index_cast %add3A_523 : i32 to index
      %get3A_548 = arith.index_cast %add3A_546 : i32 to index
      %get3A_549 = tpu.vector_load %arg7[%get3A_547, %get3A_548] {strides = array<i32>} : memref<512x128xf32, #tpu.memory_space<vmem>>, vector<1x16xf32>,
      %get3A_550 = vector.shape_cast %get3A_549 : vector<1x16xf32> to vector<16xf32>
      %mul3A_551 = arith.constant 64 : i32
      %mul3A_552 = arith.muli %add3A_523, %mul3A_551 : i32
      %add3A_553 = arith.constant 16 : i32
      %add3A_554 = arith.addi %mul3A_552, %add3A_553 : i32
      %swap3A_555 = arith.index_cast %add3A_554 : i32 to index
      %swap3A_556 = tpu.vector_load %arg8[%swap3A_555] {strides = array<i32>} : memref<32768xf32, #tpu.memory_space<vmem>>, vector<16xf32>,
      %swap3A_557 = vector.shape_cast %swap3A_556 : vector<16xf32> to vector<16xf32>
      %swap3A_558 = vector.shape_cast %get3A_550 : vector<16xf32> to vector<16xf32>
      tpu.vector_store %arg8[%swap3A_555], %swap3A_558 {strides = array<i32>} : memref<32768xf32, #tpu.memory_space<vmem>>, vector<16xf32>,
      %add3A_559 = arith.constant 32 : i32
      %add3A_560 = arith.addi %mul3A_530, %add3A_559 : i32
      %get3A_561 = arith.index_cast %add3A_523 : i32 to index
      %get3A_562 = arith.index_cast %add3A_560 : i32 to index
      %get3A_563 = tpu.vector_load %arg7[%get3A_561, %get3A_562] {strides = array<i32>} : memref<512x128xf32, #tpu.memory_space<vmem>>, vector<1x16xf32>,
      %get3A_564 = vector.shape_cast %get3A_563 : vector<1x16xf32> to vector<16xf32>
      %mul3A_565 = arith.constant 64 : i32
      %mul3A_566 = arith.muli %add3A_523, %mul3A_565 : i32
      %add3A_567 = arith.constant 32 : i32
      %add3A_568 = arith.addi %mul3A_566, %add3A_567 : i32
      %swap3A_569 = arith.index_cast %add3A_568 : i32 to index
      %swap3A_570 = tpu.vector_load %arg8[%swap3A_569] {strides = array<i32>} : memref<32768xf32, #tpu.memory_space<vmem>>, vector<16xf32>,
      %swap3A_571 = vector.shape_cast %swap3A_570 : vector<16xf32> to vector<16xf32>
      %swap3A_572 = vector.shape_cast %get3A_564 : vector<16xf32> to vector<16xf32>
      tpu.vector_store %arg8[%swap3A_569], %swap3A_572 {strides = array<i32>} : memref<32768xf32, #tpu.memory_space<vmem>>, vector<16xf32>,
      %add3A_573 = arith.constant 48 : i32
      %add3A_574 = arith.addi %mul3A_530, %add3A_573 : i32
      %get3A_575 = arith.index_cast %add3A_523 : i32 to index
      %get3A_576 = arith.index_cast %add3A_574 : i32 to index
      %get3A_577 = tpu.vector_load %arg7[%get3A_575, %get3A_576] {strides = array<i32>} : memref<512x128xf32, #tpu.memory_space<vmem>>, vector<1x16xf32>,
      %get3A_578 = vector.shape_cast %get3A_577 : vector<1x16xf32> to vector<16xf32>
      %mul3A_579 = arith.constant 64 : i32
      %mul3A_580 = arith.muli %add3A_523, %mul3A_579 : i32
      %add3A_581 = arith.constant 48 : i32
      %add3A_582 = arith.addi %mul3A_580, %add3A_581 : i32
      %swap3A_583 = arith.index_cast %add3A_582 : i32 to index
      %swap3A_584 = tpu.vector_load %arg8[%swap3A_583] {strides = array<i32>} : memref<32768xf32, #tpu.memory_space<vmem>>, vector<16xf32>,
      %swap3A_585 = vector.shape_cast %swap3A_584 : vector<16xf32> to vector<16xf32>
      %swap3A_586 = vector.shape_cast %get3A_578 : vector<16xf32> to vector<16xf32>
      tpu.vector_store %arg8[%swap3A_583], %swap3A_586 {strides = array<i32>} : memref<32768xf32, #tpu.memory_space<vmem>>, vector<16xf32>,
      %mul3A_587 = arith.constant 16 : i32
      %mul3A_588 = arith.muli %scan3A_117, %mul3A_587 : i32
      %add3A_589 = arith.constant 7 : i32
      %add3A_590 = arith.addi %mul3A_588, %add3A_589 : i32
      %slice3A_591 = vector.extract_strided_slice %get3A_122 {offsets = [7], sizes = [1], strides = [1]} : vector<16xi32> to vector<1xi32>
      %squeeze3A_592 = vector.extract %slice3A_591[0] : i32 from vector<1xi32>
      %ge3A_593 = arith.constant 499712 : i32
      %ge3A_594 = arith.cmpi sge, %squeeze3A_592, %ge3A_593 : i32
      %convert_element_type3A_595 = arith.extui %ge3A_594 : i1 to i32
      %mul3A_596 = arith.constant 64 : i32
      %mul3A_597 = arith.muli %convert_element_type3A_595, %mul3A_596 : i32
      %add3A_598 = arith.constant 0 : i32
      %add3A_599 = arith.addi %mul3A_597, %add3A_598 : i32
      %get3A_600 = arith.index_cast %add3A_590 : i32 to index
      %get3A_601 = arith.index_cast %add3A_599 : i32 to index
      %get3A_602 = tpu.vector_load %arg7[%get3A_600, %get3A_601] {strides = array<i32>} : memref<512x128xf32, #tpu.memory_space<vmem>>, vector<1x16xf32>,
      %get3A_603 = vector.shape_cast %get3A_602 : vector<1x16xf32> to vector<16xf32>
      %mul3A_604 = arith.constant 64 : i32
      %mul3A_605 = arith.muli %add3A_590, %mul3A_604 : i32
      %add3A_606 = arith.constant 0 : i32
      %add3A_607 = arith.addi %mul3A_605, %add3A_606 : i32
      %swap3A_608 = arith.index_cast %add3A_607 : i32 to index
      %swap3A_609 = tpu.vector_load %arg8[%swap3A_608] {strides = array<i32>} : memref<32768xf32, #tpu.memory_space<vmem>>, vector<16xf32>,
      %swap3A_610 = vector.shape_cast %swap3A_609 : vector<16xf32> to vector<16xf32>
      %swap3A_611 = vector.shape_cast %get3A_603 : vector<16xf32> to vector<16xf32>
      tpu.vector_store %arg8[%swap3A_608], %swap3A_611 {strides = array<i32>} : memref<32768xf32, #tpu.memory_space<vmem>>, vector<16xf32>,
      %add3A_612 = arith.constant 16 : i32
      %add3A_613 = arith.addi %mul3A_597, %add3A_612 : i32
      %get3A_614 = arith.index_cast %add3A_590 : i32 to index
      %get3A_615 = arith.index_cast %add3A_613 : i32 to index
      %get3A_616 = tpu.vector_load %arg7[%get3A_614, %get3A_615] {strides = array<i32>} : memref<512x128xf32, #tpu.memory_space<vmem>>, vector<1x16xf32>,
      %get3A_617 = vector.shape_cast %get3A_616 : vector<1x16xf32> to vector<16xf32>
      %mul3A_618 = arith.constant 64 : i32
      %mul3A_619 = arith.muli %add3A_590, %mul3A_618 : i32
      %add3A_620 = arith.constant 16 : i32
      %add3A_621 = arith.addi %mul3A_619, %add3A_620 : i32
      %swap3A_622 = arith.index_cast %add3A_621 : i32 to index
      %swap3A_623 = tpu.vector_load %arg8[%swap3A_622] {strides = array<i32>} : memref<32768xf32, #tpu.memory_space<vmem>>, vector<16xf32>,
      %swap3A_624 = vector.shape_cast %swap3A_623 : vector<16xf32> to vector<16xf32>
      %swap3A_625 = vector.shape_cast %get3A_617 : vector<16xf32> to vector<16xf32>
      tpu.vector_store %arg8[%swap3A_622], %swap3A_625 {strides = array<i32>} : memref<32768xf32, #tpu.memory_space<vmem>>, vector<16xf32>,
      %add3A_626 = arith.constant 32 : i32
      %add3A_627 = arith.addi %mul3A_597, %add3A_626 : i32
      %get3A_628 = arith.index_cast %add3A_590 : i32 to index
      %get3A_629 = arith.index_cast %add3A_627 : i32 to index
      %get3A_630 = tpu.vector_load %arg7[%get3A_628, %get3A_629] {strides = array<i32>} : memref<512x128xf32, #tpu.memory_space<vmem>>, vector<1x16xf32>,
      %get3A_631 = vector.shape_cast %get3A_630 : vector<1x16xf32> to vector<16xf32>
      %mul3A_632 = arith.constant 64 : i32
      %mul3A_633 = arith.muli %add3A_590, %mul3A_632 : i32
      %add3A_634 = arith.constant 32 : i32
      %add3A_635 = arith.addi %mul3A_633, %add3A_634 : i32
      %swap3A_636 = arith.index_cast %add3A_635 : i32 to index
      %swap3A_637 = tpu.vector_load %arg8[%swap3A_636] {strides = array<i32>} : memref<32768xf32, #tpu.memory_space<vmem>>, vector<16xf32>,
      %swap3A_638 = vector.shape_cast %swap3A_637 : vector<16xf32> to vector<16xf32>
      %swap3A_639 = vector.shape_cast %get3A_631 : vector<16xf32> to vector<16xf32>
      tpu.vector_store %arg8[%swap3A_636], %swap3A_639 {strides = array<i32>} : memref<32768xf32, #tpu.memory_space<vmem>>, vector<16xf32>,
      %add3A_640 = arith.constant 48 : i32
      %add3A_641 = arith.addi %mul3A_597, %add3A_640 : i32
      %get3A_642 = arith.index_cast %add3A_590 : i32 to index
      %get3A_643 = arith.index_cast %add3A_641 : i32 to index
      %get3A_644 = tpu.vector_load %arg7[%get3A_642, %get3A_643] {strides = array<i32>} : memref<512x128xf32, #tpu.memory_space<vmem>>, vector<1x16xf32>,
      %get3A_645 = vector.shape_cast %get3A_644 : vector<1x16xf32> to vector<16xf32>
      %mul3A_646 = arith.constant 64 : i32
      %mul3A_647 = arith.muli %add3A_590, %mul3A_646 : i32
      %add3A_648 = arith.constant 48 : i32
      %add3A_649 = arith.addi %mul3A_647, %add3A_648 : i32
      %swap3A_650 = arith.index_cast %add3A_649 : i32 to index
      %swap3A_651 = tpu.vector_load %arg8[%swap3A_650] {strides = array<i32>} : memref<32768xf32, #tpu.memory_space<vmem>>, vector<16xf32>,
      %swap3A_652 = vector.shape_cast %swap3A_651 : vector<16xf32> to vector<16xf32>
      %swap3A_653 = vector.shape_cast %get3A_645 : vector<16xf32> to vector<16xf32>
      tpu.vector_store %arg8[%swap3A_650], %swap3A_653 {strides = array<i32>} : memref<32768xf32, #tpu.memory_space<vmem>>, vector<16xf32>,
      %mul3A_654 = arith.constant 16 : i32
      %mul3A_655 = arith.muli %scan3A_117, %mul3A_654 : i32
      %add3A_656 = arith.constant 8 : i32
      %add3A_657 = arith.addi %mul3A_655, %add3A_656 : i32
      %slice3A_658 = vector.extract_strided_slice %get3A_122 {offsets = [8], sizes = [1], strides = [1]} : vector<16xi32> to vector<1xi32>
      %squeeze3A_659 = vector.extract %slice3A_658[0] : i32 from vector<1xi32>
      %ge3A_660 = arith.constant 499712 : i32
      %ge3A_661 = arith.cmpi sge, %squeeze3A_659, %ge3A_660 : i32
      %convert_element_type3A_662 = arith.extui %ge3A_661 : i1 to i32
      %mul3A_663 = arith.constant 64 : i32
      %mul3A_664 = arith.muli %convert_element_type3A_662, %mul3A_663 : i32
      %add3A_665 = arith.constant 0 : i32
      %add3A_666 = arith.addi %mul3A_664, %add3A_665 : i32
      %get3A_667 = arith.index_cast %add3A_657 : i32 to index
      %get3A_668 = arith.index_cast %add3A_666 : i32 to index
      %get3A_669 = tpu.vector_load %arg7[%get3A_667, %get3A_668] {strides = array<i32>} : memref<512x128xf32, #tpu.memory_space<vmem>>, vector<1x16xf32>,
      %get3A_670 = vector.shape_cast %get3A_669 : vector<1x16xf32> to vector<16xf32>
      %mul3A_671 = arith.constant 64 : i32
      %mul3A_672 = arith.muli %add3A_657, %mul3A_671 : i32
      %add3A_673 = arith.constant 0 : i32
      %add3A_674 = arith.addi %mul3A_672, %add3A_673 : i32
      %swap3A_675 = arith.index_cast %add3A_674 : i32 to index
      %swap3A_676 = tpu.vector_load %arg8[%swap3A_675] {strides = array<i32>} : memref<32768xf32, #tpu.memory_space<vmem>>, vector<16xf32>,
      %swap3A_677 = vector.shape_cast %swap3A_676 : vector<16xf32> to vector<16xf32>
      %swap3A_678 = vector.shape_cast %get3A_670 : vector<16xf32> to vector<16xf32>
      tpu.vector_store %arg8[%swap3A_675], %swap3A_678 {strides = array<i32>} : memref<32768xf32, #tpu.memory_space<vmem>>, vector<16xf32>,
      %add3A_679 = arith.constant 16 : i32
      %add3A_680 = arith.addi %mul3A_664, %add3A_679 : i32
      %get3A_681 = arith.index_cast %add3A_657 : i32 to index
      %get3A_682 = arith.index_cast %add3A_680 : i32 to index
      %get3A_683 = tpu.vector_load %arg7[%get3A_681, %get3A_682] {strides = array<i32>} : memref<512x128xf32, #tpu.memory_space<vmem>>, vector<1x16xf32>,
      %get3A_684 = vector.shape_cast %get3A_683 : vector<1x16xf32> to vector<16xf32>
      %mul3A_685 = arith.constant 64 : i32
      %mul3A_686 = arith.muli %add3A_657, %mul3A_685 : i32
      %add3A_687 = arith.constant 16 : i32
      %add3A_688 = arith.addi %mul3A_686, %add3A_687 : i32
      %swap3A_689 = arith.index_cast %add3A_688 : i32 to index
      %swap3A_690 = tpu.vector_load %arg8[%swap3A_689] {strides = array<i32>} : memref<32768xf32, #tpu.memory_space<vmem>>, vector<16xf32>,
      %swap3A_691 = vector.shape_cast %swap3A_690 : vector<16xf32> to vector<16xf32>
      %swap3A_692 = vector.shape_cast %get3A_684 : vector<16xf32> to vector<16xf32>
      tpu.vector_store %arg8[%swap3A_689], %swap3A_692 {strides = array<i32>} : memref<32768xf32, #tpu.memory_space<vmem>>, vector<16xf32>,
      %add3A_693 = arith.constant 32 : i32
      %add3A_694 = arith.addi %mul3A_664, %add3A_693 : i32
      %get3A_695 = arith.index_cast %add3A_657 : i32 to index
      %get3A_696 = arith.index_cast %add3A_694 : i32 to index
      %get3A_697 = tpu.vector_load %arg7[%get3A_695, %get3A_696] {strides = array<i32>} : memref<512x128xf32, #tpu.memory_space<vmem>>, vector<1x16xf32>,
      %get3A_698 = vector.shape_cast %get3A_697 : vector<1x16xf32> to vector<16xf32>
      %mul3A_699 = arith.constant 64 : i32
      %mul3A_700 = arith.muli %add3A_657, %mul3A_699 : i32
      %add3A_701 = arith.constant 32 : i32
      %add3A_702 = arith.addi %mul3A_700, %add3A_701 : i32
      %swap3A_703 = arith.index_cast %add3A_702 : i32 to index
      %swap3A_704 = tpu.vector_load %arg8[%swap3A_703] {strides = array<i32>} : memref<32768xf32, #tpu.memory_space<vmem>>, vector<16xf32>,
      %swap3A_705 = vector.shape_cast %swap3A_704 : vector<16xf32> to vector<16xf32>
      %swap3A_706 = vector.shape_cast %get3A_698 : vector<16xf32> to vector<16xf32>
      tpu.vector_store %arg8[%swap3A_703], %swap3A_706 {strides = array<i32>} : memref<32768xf32, #tpu.memory_space<vmem>>, vector<16xf32>,
      %add3A_707 = arith.constant 48 : i32
      %add3A_708 = arith.addi %mul3A_664, %add3A_707 : i32
      %get3A_709 = arith.index_cast %add3A_657 : i32 to index
      %get3A_710 = arith.index_cast %add3A_708 : i32 to index
      %get3A_711 = tpu.vector_load %arg7[%get3A_709, %get3A_710] {strides = array<i32>} : memref<512x128xf32, #tpu.memory_space<vmem>>, vector<1x16xf32>,
      %get3A_712 = vector.shape_cast %get3A_711 : vector<1x16xf32> to vector<16xf32>
      %mul3A_713 = arith.constant 64 : i32
      %mul3A_714 = arith.muli %add3A_657, %mul3A_713 : i32
      %add3A_715 = arith.constant 48 : i32
      %add3A_716 = arith.addi %mul3A_714, %add3A_715 : i32
      %swap3A_717 = arith.index_cast %add3A_716 : i32 to index
      %swap3A_718 = tpu.vector_load %arg8[%swap3A_717] {strides = array<i32>} : memref<32768xf32, #tpu.memory_space<vmem>>, vector<16xf32>,
      %swap3A_719 = vector.shape_cast %swap3A_718 : vector<16xf32> to vector<16xf32>
      %swap3A_720 = vector.shape_cast %get3A_712 : vector<16xf32> to vector<16xf32>
      tpu.vector_store %arg8[%swap3A_717], %swap3A_720 {strides = array<i32>} : memref<32768xf32, #tpu.memory_space<vmem>>, vector<16xf32>,
      %mul3A_721 = arith.constant 16 : i32
      %mul3A_722 = arith.muli %scan3A_117, %mul3A_721 : i32
      %add3A_723 = arith.constant 9 : i32
      %add3A_724 = arith.addi %mul3A_722, %add3A_723 : i32
      %slice3A_725 = vector.extract_strided_slice %get3A_122 {offsets = [9], sizes = [1], strides = [1]} : vector<16xi32> to vector<1xi32>
      %squeeze3A_726 = vector.extract %slice3A_725[0] : i32 from vector<1xi32>
      %ge3A_727 = arith.constant 499712 : i32
      %ge3A_728 = arith.cmpi sge, %squeeze3A_726, %ge3A_727 : i32
      %convert_element_type3A_729 = arith.extui %ge3A_728 : i1 to i32
      %mul3A_730 = arith.constant 64 : i32
      %mul3A_731 = arith.muli %convert_element_type3A_729, %mul3A_730 : i32
      %add3A_732 = arith.constant 0 : i32
      %add3A_733 = arith.addi %mul3A_731, %add3A_732 : i32
      %get3A_734 = arith.index_cast %add3A_724 : i32 to index
      %get3A_735 = arith.index_cast %add3A_733 : i32 to index
      %get3A_736 = tpu.vector_load %arg7[%get3A_734, %get3A_735] {strides = array<i32>} : memref<512x128xf32, #tpu.memory_space<vmem>>, vector<1x16xf32>,
      %get3A_737 = vector.shape_cast %get3A_736 : vector<1x16xf32> to vector<16xf32>
      %mul3A_738 = arith.constant 64 : i32
      %mul3A_739 = arith.muli %add3A_724, %mul3A_738 : i32
      %add3A_740 = arith.constant 0 : i32
      %add3A_741 = arith.addi %mul3A_739, %add3A_740 : i32
      %swap3A_742 = arith.index_cast %add3A_741 : i32 to index
      %swap3A_743 = tpu.vector_load %arg8[%swap3A_742] {strides = array<i32>} : memref<32768xf32, #tpu.memory_space<vmem>>, vector<16xf32>,
      %swap3A_744 = vector.shape_cast %swap3A_743 : vector<16xf32> to vector<16xf32>
      %swap3A_745 = vector.shape_cast %get3A_737 : vector<16xf32> to vector<16xf32>
      tpu.vector_store %arg8[%swap3A_742], %swap3A_745 {strides = array<i32>} : memref<32768xf32, #tpu.memory_space<vmem>>, vector<16xf32>,
      %add3A_746 = arith.constant 16 : i32
      %add3A_747 = arith.addi %mul3A_731, %add3A_746 : i32
      %get3A_748 = arith.index_cast %add3A_724 : i32 to index
      %get3A_749 = arith.index_cast %add3A_747 : i32 to index
      %get3A_750 = tpu.vector_load %arg7[%get3A_748, %get3A_749] {strides = array<i32>} : memref<512x128xf32, #tpu.memory_space<vmem>>, vector<1x16xf32>,
      %get3A_751 = vector.shape_cast %get3A_750 : vector<1x16xf32> to vector<16xf32>
      %mul3A_752 = arith.constant 64 : i32
      %mul3A_753 = arith.muli %add3A_724, %mul3A_752 : i32
      %add3A_754 = arith.constant 16 : i32
      %add3A_755 = arith.addi %mul3A_753, %add3A_754 : i32
      %swap3A_756 = arith.index_cast %add3A_755 : i32 to index
      %swap3A_757 = tpu.vector_load %arg8[%swap3A_756] {strides = array<i32>} : memref<32768xf32, #tpu.memory_space<vmem>>, vector<16xf32>,
      %swap3A_758 = vector.shape_cast %swap3A_757 : vector<16xf32> to vector<16xf32>
      %swap3A_759 = vector.shape_cast %get3A_751 : vector<16xf32> to vector<16xf32>
      tpu.vector_store %arg8[%swap3A_756], %swap3A_759 {strides = array<i32>} : memref<32768xf32, #tpu.memory_space<vmem>>, vector<16xf32>,
      %add3A_760 = arith.constant 32 : i32
      %add3A_761 = arith.addi %mul3A_731, %add3A_760 : i32
      %get3A_762 = arith.index_cast %add3A_724 : i32 to index
      %get3A_763 = arith.index_cast %add3A_761 : i32 to index
      %get3A_764 = tpu.vector_load %arg7[%get3A_762, %get3A_763] {strides = array<i32>} : memref<512x128xf32, #tpu.memory_space<vmem>>, vector<1x16xf32>,
      %get3A_765 = vector.shape_cast %get3A_764 : vector<1x16xf32> to vector<16xf32>
      %mul3A_766 = arith.constant 64 : i32
      %mul3A_767 = arith.muli %add3A_724, %mul3A_766 : i32
      %add3A_768 = arith.constant 32 : i32
      %add3A_769 = arith.addi %mul3A_767, %add3A_768 : i32
      %swap3A_770 = arith.index_cast %add3A_769 : i32 to index
      %swap3A_771 = tpu.vector_load %arg8[%swap3A_770] {strides = array<i32>} : memref<32768xf32, #tpu.memory_space<vmem>>, vector<16xf32>,
      %swap3A_772 = vector.shape_cast %swap3A_771 : vector<16xf32> to vector<16xf32>
      %swap3A_773 = vector.shape_cast %get3A_765 : vector<16xf32> to vector<16xf32>
      tpu.vector_store %arg8[%swap3A_770], %swap3A_773 {strides = array<i32>} : memref<32768xf32, #tpu.memory_space<vmem>>, vector<16xf32>,
      %add3A_774 = arith.constant 48 : i32
      %add3A_775 = arith.addi %mul3A_731, %add3A_774 : i32
      %get3A_776 = arith.index_cast %add3A_724 : i32 to index
      %get3A_777 = arith.index_cast %add3A_775 : i32 to index
      %get3A_778 = tpu.vector_load %arg7[%get3A_776, %get3A_777] {strides = array<i32>} : memref<512x128xf32, #tpu.memory_space<vmem>>, vector<1x16xf32>,
      %get3A_779 = vector.shape_cast %get3A_778 : vector<1x16xf32> to vector<16xf32>
      %mul3A_780 = arith.constant 64 : i32
      %mul3A_781 = arith.muli %add3A_724, %mul3A_780 : i32
      %add3A_782 = arith.constant 48 : i32
      %add3A_783 = arith.addi %mul3A_781, %add3A_782 : i32
      %swap3A_784 = arith.index_cast %add3A_783 : i32 to index
      %swap3A_785 = tpu.vector_load %arg8[%swap3A_784] {strides = array<i32>} : memref<32768xf32, #tpu.memory_space<vmem>>, vector<16xf32>,
      %swap3A_786 = vector.shape_cast %swap3A_785 : vector<16xf32> to vector<16xf32>
      %swap3A_787 = vector.shape_cast %get3A_779 : vector<16xf32> to vector<16xf32>
      tpu.vector_store %arg8[%swap3A_784], %swap3A_787 {strides = array<i32>} : memref<32768xf32, #tpu.memory_space<vmem>>, vector<16xf32>,
      %mul3A_788 = arith.constant 16 : i32
      %mul3A_789 = arith.muli %scan3A_117, %mul3A_788 : i32
      %add3A_790 = arith.constant 10 : i32
      %add3A_791 = arith.addi %mul3A_789, %add3A_790 : i32
      %slice3A_792 = vector.extract_strided_slice %get3A_122 {offsets = [10], sizes = [1], strides = [1]} : vector<16xi32> to vector<1xi32>
      %squeeze3A_793 = vector.extract %slice3A_792[0] : i32 from vector<1xi32>
      %ge3A_794 = arith.constant 499712 : i32
      %ge3A_795 = arith.cmpi sge, %squeeze3A_793, %ge3A_794 : i32
      %convert_element_type3A_796 = arith.extui %ge3A_795 : i1 to i32
      %mul3A_797 = arith.constant 64 : i32
      %mul3A_798 = arith.muli %convert_element_type3A_796, %mul3A_797 : i32
      %add3A_799 = arith.constant 0 : i32
      %add3A_800 = arith.addi %mul3A_798, %add3A_799 : i32
      %get3A_801 = arith.index_cast %add3A_791 : i32 to index
      %get3A_802 = arith.index_cast %add3A_800 : i32 to index
      %get3A_803 = tpu.vector_load %arg7[%get3A_801, %get3A_802] {strides = array<i32>} : memref<512x128xf32, #tpu.memory_space<vmem>>, vector<1x16xf32>,
      %get3A_804 = vector.shape_cast %get3A_803 : vector<1x16xf32> to vector<16xf32>
      %mul3A_805 = arith.constant 64 : i32
      %mul3A_806 = arith.muli %add3A_791, %mul3A_805 : i32
      %add3A_807 = arith.constant 0 : i32
      %add3A_808 = arith.addi %mul3A_806, %add3A_807 : i32
      %swap3A_809 = arith.index_cast %add3A_808 : i32 to index
      %swap3A_810 = tpu.vector_load %arg8[%swap3A_809] {strides = array<i32>} : memref<32768xf32, #tpu.memory_space<vmem>>, vector<16xf32>,
      %swap3A_811 = vector.shape_cast %swap3A_810 : vector<16xf32> to vector<16xf32>
      %swap3A_812 = vector.shape_cast %get3A_804 : vector<16xf32> to vector<16xf32>
      tpu.vector_store %arg8[%swap3A_809], %swap3A_812 {strides = array<i32>} : memref<32768xf32, #tpu.memory_space<vmem>>, vector<16xf32>,
      %add3A_813 = arith.constant 16 : i32
      %add3A_814 = arith.addi %mul3A_798, %add3A_813 : i32
      %get3A_815 = arith.index_cast %add3A_791 : i32 to index
      %get3A_816 = arith.index_cast %add3A_814 : i32 to index
      %get3A_817 = tpu.vector_load %arg7[%get3A_815, %get3A_816] {strides = array<i32>} : memref<512x128xf32, #tpu.memory_space<vmem>>, vector<1x16xf32>,
      %get3A_818 = vector.shape_cast %get3A_817 : vector<1x16xf32> to vector<16xf32>
      %mul3A_819 = arith.constant 64 : i32
      %mul3A_820 = arith.muli %add3A_791, %mul3A_819 : i32
      %add3A_821 = arith.constant 16 : i32
      %add3A_822 = arith.addi %mul3A_820, %add3A_821 : i32
      %swap3A_823 = arith.index_cast %add3A_822 : i32 to index
      %swap3A_824 = tpu.vector_load %arg8[%swap3A_823] {strides = array<i32>} : memref<32768xf32, #tpu.memory_space<vmem>>, vector<16xf32>,
      %swap3A_825 = vector.shape_cast %swap3A_824 : vector<16xf32> to vector<16xf32>
      %swap3A_826 = vector.shape_cast %get3A_818 : vector<16xf32> to vector<16xf32>
      tpu.vector_store %arg8[%swap3A_823], %swap3A_826 {strides = array<i32>} : memref<32768xf32, #tpu.memory_space<vmem>>, vector<16xf32>,
      %add3A_827 = arith.constant 32 : i32
      %add3A_828 = arith.addi %mul3A_798, %add3A_827 : i32
      %get3A_829 = arith.index_cast %add3A_791 : i32 to index
      %get3A_830 = arith.index_cast %add3A_828 : i32 to index
      %get3A_831 = tpu.vector_load %arg7[%get3A_829, %get3A_830] {strides = array<i32>} : memref<512x128xf32, #tpu.memory_space<vmem>>, vector<1x16xf32>,
      %get3A_832 = vector.shape_cast %get3A_831 : vector<1x16xf32> to vector<16xf32>
      %mul3A_833 = arith.constant 64 : i32
      %mul3A_834 = arith.muli %add3A_791, %mul3A_833 : i32
      %add3A_835 = arith.constant 32 : i32
      %add3A_836 = arith.addi %mul3A_834, %add3A_835 : i32
      %swap3A_837 = arith.index_cast %add3A_836 : i32 to index
      %swap3A_838 = tpu.vector_load %arg8[%swap3A_837] {strides = array<i32>} : memref<32768xf32, #tpu.memory_space<vmem>>, vector<16xf32>,
      %swap3A_839 = vector.shape_cast %swap3A_838 : vector<16xf32> to vector<16xf32>
      %swap3A_840 = vector.shape_cast %get3A_832 : vector<16xf32> to vector<16xf32>
      tpu.vector_store %arg8[%swap3A_837], %swap3A_840 {strides = array<i32>} : memref<32768xf32, #tpu.memory_space<vmem>>, vector<16xf32>,
      %add3A_841 = arith.constant 48 : i32
      %add3A_842 = arith.addi %mul3A_798, %add3A_841 : i32
      %get3A_843 = arith.index_cast %add3A_791 : i32 to index
      %get3A_844 = arith.index_cast %add3A_842 : i32 to index
      %get3A_845 = tpu.vector_load %arg7[%get3A_843, %get3A_844] {strides = array<i32>} : memref<512x128xf32, #tpu.memory_space<vmem>>, vector<1x16xf32>,
      %get3A_846 = vector.shape_cast %get3A_845 : vector<1x16xf32> to vector<16xf32>
      %mul3A_847 = arith.constant 64 : i32
      %mul3A_848 = arith.muli %add3A_791, %mul3A_847 : i32
      %add3A_849 = arith.constant 48 : i32
      %add3A_850 = arith.addi %mul3A_848, %add3A_849 : i32
      %swap3A_851 = arith.index_cast %add3A_850 : i32 to index
      %swap3A_852 = tpu.vector_load %arg8[%swap3A_851] {strides = array<i32>} : memref<32768xf32, #tpu.memory_space<vmem>>, vector<16xf32>,
      %swap3A_853 = vector.shape_cast %swap3A_852 : vector<16xf32> to vector<16xf32>
      %swap3A_854 = vector.shape_cast %get3A_846 : vector<16xf32> to vector<16xf32>
      tpu.vector_store %arg8[%swap3A_851], %swap3A_854 {strides = array<i32>} : memref<32768xf32, #tpu.memory_space<vmem>>, vector<16xf32>,
      %mul3A_855 = arith.constant 16 : i32
      %mul3A_856 = arith.muli %scan3A_117, %mul3A_855 : i32
      %add3A_857 = arith.constant 11 : i32
      %add3A_858 = arith.addi %mul3A_856, %add3A_857 : i32
      %slice3A_859 = vector.extract_strided_slice %get3A_122 {offsets = [11], sizes = [1], strides = [1]} : vector<16xi32> to vector<1xi32>
      %squeeze3A_860 = vector.extract %slice3A_859[0] : i32 from vector<1xi32>
      %ge3A_861 = arith.constant 499712 : i32
      %ge3A_862 = arith.cmpi sge, %squeeze3A_860, %ge3A_861 : i32
      %convert_element_type3A_863 = arith.extui %ge3A_862 : i1 to i32
      %mul3A_864 = arith.constant 64 : i32
      %mul3A_865 = arith.muli %convert_element_type3A_863, %mul3A_864 : i32
      %add3A_866 = arith.constant 0 : i32
      %add3A_867 = arith.addi %mul3A_865, %add3A_866 : i32
      %get3A_868 = arith.index_cast %add3A_858 : i32 to index
      %get3A_869 = arith.index_cast %add3A_867 : i32 to index
      %get3A_870 = tpu.vector_load %arg7[%get3A_868, %get3A_869] {strides = array<i32>} : memref<512x128xf32, #tpu.memory_space<vmem>>, vector<1x16xf32>,
      %get3A_871 = vector.shape_cast %get3A_870 : vector<1x16xf32> to vector<16xf32>
      %mul3A_872 = arith.constant 64 : i32
      %mul3A_873 = arith.muli %add3A_858, %mul3A_872 : i32
      %add3A_874 = arith.constant 0 : i32
      %add3A_875 = arith.addi %mul3A_873, %add3A_874 : i32
      %swap3A_876 = arith.index_cast %add3A_875 : i32 to index
      %swap3A_877 = tpu.vector_load %arg8[%swap3A_876] {strides = array<i32>} : memref<32768xf32, #tpu.memory_space<vmem>>, vector<16xf32>,
      %swap3A_878 = vector.shape_cast %swap3A_877 : vector<16xf32> to vector<16xf32>
      %swap3A_879 = vector.shape_cast %get3A_871 : vector<16xf32> to vector<16xf32>
      tpu.vector_store %arg8[%swap3A_876], %swap3A_879 {strides = array<i32>} : memref<32768xf32, #tpu.memory_space<vmem>>, vector<16xf32>,
      %add3A_880 = arith.constant 16 : i32
      %add3A_881 = arith.addi %mul3A_865, %add3A_880 : i32
      %get3A_882 = arith.index_cast %add3A_858 : i32 to index
      %get3A_883 = arith.index_cast %add3A_881 : i32 to index
      %get3A_884 = tpu.vector_load %arg7[%get3A_882, %get3A_883] {strides = array<i32>} : memref<512x128xf32, #tpu.memory_space<vmem>>, vector<1x16xf32>,
      %get3A_885 = vector.shape_cast %get3A_884 : vector<1x16xf32> to vector<16xf32>
      %mul3A_886 = arith.constant 64 : i32
      %mul3A_887 = arith.muli %add3A_858, %mul3A_886 : i32
      %add3A_888 = arith.constant 16 : i32
      %add3A_889 = arith.addi %mul3A_887, %add3A_888 : i32
      %swap3A_890 = arith.index_cast %add3A_889 : i32 to index
      %swap3A_891 = tpu.vector_load %arg8[%swap3A_890] {strides = array<i32>} : memref<32768xf32, #tpu.memory_space<vmem>>, vector<16xf32>,
      %swap3A_892 = vector.shape_cast %swap3A_891 : vector<16xf32> to vector<16xf32>
      %swap3A_893 = vector.shape_cast %get3A_885 : vector<16xf32> to vector<16xf32>
      tpu.vector_store %arg8[%swap3A_890], %swap3A_893 {strides = array<i32>} : memref<32768xf32, #tpu.memory_space<vmem>>, vector<16xf32>,
      %add3A_894 = arith.constant 32 : i32
      %add3A_895 = arith.addi %mul3A_865, %add3A_894 : i32
      %get3A_896 = arith.index_cast %add3A_858 : i32 to index
      %get3A_897 = arith.index_cast %add3A_895 : i32 to index
      %get3A_898 = tpu.vector_load %arg7[%get3A_896, %get3A_897] {strides = array<i32>} : memref<512x128xf32, #tpu.memory_space<vmem>>, vector<1x16xf32>,
      %get3A_899 = vector.shape_cast %get3A_898 : vector<1x16xf32> to vector<16xf32>
      %mul3A_900 = arith.constant 64 : i32
      %mul3A_901 = arith.muli %add3A_858, %mul3A_900 : i32
      %add3A_902 = arith.constant 32 : i32
      %add3A_903 = arith.addi %mul3A_901, %add3A_902 : i32
      %swap3A_904 = arith.index_cast %add3A_903 : i32 to index
      %swap3A_905 = tpu.vector_load %arg8[%swap3A_904] {strides = array<i32>} : memref<32768xf32, #tpu.memory_space<vmem>>, vector<16xf32>,
      %swap3A_906 = vector.shape_cast %swap3A_905 : vector<16xf32> to vector<16xf32>
      %swap3A_907 = vector.shape_cast %get3A_899 : vector<16xf32> to vector<16xf32>
      tpu.vector_store %arg8[%swap3A_904], %swap3A_907 {strides = array<i32>} : memref<32768xf32, #tpu.memory_space<vmem>>, vector<16xf32>,
      %add3A_908 = arith.constant 48 : i32
      %add3A_909 = arith.addi %mul3A_865, %add3A_908 : i32
      %get3A_910 = arith.index_cast %add3A_858 : i32 to index
      %get3A_911 = arith.index_cast %add3A_909 : i32 to index
      %get3A_912 = tpu.vector_load %arg7[%get3A_910, %get3A_911] {strides = array<i32>} : memref<512x128xf32, #tpu.memory_space<vmem>>, vector<1x16xf32>,
      %get3A_913 = vector.shape_cast %get3A_912 : vector<1x16xf32> to vector<16xf32>
      %mul3A_914 = arith.constant 64 : i32
      %mul3A_915 = arith.muli %add3A_858, %mul3A_914 : i32
      %add3A_916 = arith.constant 48 : i32
      %add3A_917 = arith.addi %mul3A_915, %add3A_916 : i32
      %swap3A_918 = arith.index_cast %add3A_917 : i32 to index
      %swap3A_919 = tpu.vector_load %arg8[%swap3A_918] {strides = array<i32>} : memref<32768xf32, #tpu.memory_space<vmem>>, vector<16xf32>,
      %swap3A_920 = vector.shape_cast %swap3A_919 : vector<16xf32> to vector<16xf32>
      %swap3A_921 = vector.shape_cast %get3A_913 : vector<16xf32> to vector<16xf32>
      tpu.vector_store %arg8[%swap3A_918], %swap3A_921 {strides = array<i32>} : memref<32768xf32, #tpu.memory_space<vmem>>, vector<16xf32>,
      %mul3A_922 = arith.constant 16 : i32
      %mul3A_923 = arith.muli %scan3A_117, %mul3A_922 : i32
      %add3A_924 = arith.constant 12 : i32
      %add3A_925 = arith.addi %mul3A_923, %add3A_924 : i32
      %slice3A_926 = vector.extract_strided_slice %get3A_122 {offsets = [12], sizes = [1], strides = [1]} : vector<16xi32> to vector<1xi32>
      %squeeze3A_927 = vector.extract %slice3A_926[0] : i32 from vector<1xi32>
      %ge3A_928 = arith.constant 499712 : i32
      %ge3A_929 = arith.cmpi sge, %squeeze3A_927, %ge3A_928 : i32
      %convert_element_type3A_930 = arith.extui %ge3A_929 : i1 to i32
      %mul3A_931 = arith.constant 64 : i32
      %mul3A_932 = arith.muli %convert_element_type3A_930, %mul3A_931 : i32
      %add3A_933 = arith.constant 0 : i32
      %add3A_934 = arith.addi %mul3A_932, %add3A_933 : i32
      %get3A_935 = arith.index_cast %add3A_925 : i32 to index
      %get3A_936 = arith.index_cast %add3A_934 : i32 to index
      %get3A_937 = tpu.vector_load %arg7[%get3A_935, %get3A_936] {strides = array<i32>} : memref<512x128xf32, #tpu.memory_space<vmem>>, vector<1x16xf32>,
      %get3A_938 = vector.shape_cast %get3A_937 : vector<1x16xf32> to vector<16xf32>
      %mul3A_939 = arith.constant 64 : i32
      %mul3A_940 = arith.muli %add3A_925, %mul3A_939 : i32
      %add3A_941 = arith.constant 0 : i32
      %add3A_942 = arith.addi %mul3A_940, %add3A_941 : i32
      %swap3A_943 = arith.index_cast %add3A_942 : i32 to index
      %swap3A_944 = tpu.vector_load %arg8[%swap3A_943] {strides = array<i32>} : memref<32768xf32, #tpu.memory_space<vmem>>, vector<16xf32>,
      %swap3A_945 = vector.shape_cast %swap3A_944 : vector<16xf32> to vector<16xf32>
      %swap3A_946 = vector.shape_cast %get3A_938 : vector<16xf32> to vector<16xf32>
      tpu.vector_store %arg8[%swap3A_943], %swap3A_946 {strides = array<i32>} : memref<32768xf32, #tpu.memory_space<vmem>>, vector<16xf32>,
      %add3A_947 = arith.constant 16 : i32
      %add3A_948 = arith.addi %mul3A_932, %add3A_947 : i32
      %get3A_949 = arith.index_cast %add3A_925 : i32 to index
      %get3A_950 = arith.index_cast %add3A_948 : i32 to index
      %get3A_951 = tpu.vector_load %arg7[%get3A_949, %get3A_950] {strides = array<i32>} : memref<512x128xf32, #tpu.memory_space<vmem>>, vector<1x16xf32>,
      %get3A_952 = vector.shape_cast %get3A_951 : vector<1x16xf32> to vector<16xf32>
      %mul3A_953 = arith.constant 64 : i32
      %mul3A_954 = arith.muli %add3A_925, %mul3A_953 : i32
      %add3A_955 = arith.constant 16 : i32
      %add3A_956 = arith.addi %mul3A_954, %add3A_955 : i32
      %swap3A_957 = arith.index_cast %add3A_956 : i32 to index
      %swap3A_958 = tpu.vector_load %arg8[%swap3A_957] {strides = array<i32>} : memref<32768xf32, #tpu.memory_space<vmem>>, vector<16xf32>,
      %swap3A_959 = vector.shape_cast %swap3A_958 : vector<16xf32> to vector<16xf32>
      %swap3A_960 = vector.shape_cast %get3A_952 : vector<16xf32> to vector<16xf32>
      tpu.vector_store %arg8[%swap3A_957], %swap3A_960 {strides = array<i32>} : memref<32768xf32, #tpu.memory_space<vmem>>, vector<16xf32>,
      %add3A_961 = arith.constant 32 : i32
      %add3A_962 = arith.addi %mul3A_932, %add3A_961 : i32
      %get3A_963 = arith.index_cast %add3A_925 : i32 to index
      %get3A_964 = arith.index_cast %add3A_962 : i32 to index
      %get3A_965 = tpu.vector_load %arg7[%get3A_963, %get3A_964] {strides = array<i32>} : memref<512x128xf32, #tpu.memory_space<vmem>>, vector<1x16xf32>,
      %get3A_966 = vector.shape_cast %get3A_965 : vector<1x16xf32> to vector<16xf32>
      %mul3A_967 = arith.constant 64 : i32
      %mul3A_968 = arith.muli %add3A_925, %mul3A_967 : i32
      %add3A_969 = arith.constant 32 : i32
      %add3A_970 = arith.addi %mul3A_968, %add3A_969 : i32
      %swap3A_971 = arith.index_cast %add3A_970 : i32 to index
      %swap3A_972 = tpu.vector_load %arg8[%swap3A_971] {strides = array<i32>} : memref<32768xf32, #tpu.memory_space<vmem>>, vector<16xf32>,
      %swap3A_973 = vector.shape_cast %swap3A_972 : vector<16xf32> to vector<16xf32>
      %swap3A_974 = vector.shape_cast %get3A_966 : vector<16xf32> to vector<16xf32>
      tpu.vector_store %arg8[%swap3A_971], %swap3A_974 {strides = array<i32>} : memref<32768xf32, #tpu.memory_space<vmem>>, vector<16xf32>,
      %add3A_975 = arith.constant 48 : i32
      %add3A_976 = arith.addi %mul3A_932, %add3A_975 : i32
      %get3A_977 = arith.index_cast %add3A_925 : i32 to index
      %get3A_978 = arith.index_cast %add3A_976 : i32 to index
      %get3A_979 = tpu.vector_load %arg7[%get3A_977, %get3A_978] {strides = array<i32>} : memref<512x128xf32, #tpu.memory_space<vmem>>, vector<1x16xf32>,
      %get3A_980 = vector.shape_cast %get3A_979 : vector<1x16xf32> to vector<16xf32>
      %mul3A_981 = arith.constant 64 : i32
      %mul3A_982 = arith.muli %add3A_925, %mul3A_981 : i32
      %add3A_983 = arith.constant 48 : i32
      %add3A_984 = arith.addi %mul3A_982, %add3A_983 : i32
      %swap3A_985 = arith.index_cast %add3A_984 : i32 to index
      %swap3A_986 = tpu.vector_load %arg8[%swap3A_985] {strides = array<i32>} : memref<32768xf32, #tpu.memory_space<vmem>>, vector<16xf32>,
      %swap3A_987 = vector.shape_cast %swap3A_986 : vector<16xf32> to vector<16xf32>
      %swap3A_988 = vector.shape_cast %get3A_980 : vector<16xf32> to vector<16xf32>
      tpu.vector_store %arg8[%swap3A_985], %swap3A_988 {strides = array<i32>} : memref<32768xf32, #tpu.memory_space<vmem>>, vector<16xf32>,
      %mul3A_989 = arith.constant 16 : i32
      %mul3A_990 = arith.muli %scan3A_117, %mul3A_989 : i32
      %add3A_991 = arith.constant 13 : i32
      %add3A_992 = arith.addi %mul3A_990, %add3A_991 : i32
      %slice3A_993 = vector.extract_strided_slice %get3A_122 {offsets = [13], sizes = [1], strides = [1]} : vector<16xi32> to vector<1xi32>
      %squeeze3A_994 = vector.extract %slice3A_993[0] : i32 from vector<1xi32>
      %ge3A_995 = arith.constant 499712 : i32
      %ge3A_996 = arith.cmpi sge, %squeeze3A_994, %ge3A_995 : i32
      %convert_element_type3A_997 = arith.extui %ge3A_996 : i1 to i32
      %mul3A_998 = arith.constant 64 : i32
      %mul3A_999 = arith.muli %convert_element_type3A_997, %mul3A_998 : i32
      %add3A_1000 = arith.constant 0 : i32
      %add3A_1001 = arith.addi %mul3A_999, %add3A_1000 : i32
      %get3A_1002 = arith.index_cast %add3A_992 : i32 to index
      %get3A_1003 = arith.index_cast %add3A_1001 : i32 to index
      %get3A_1004 = tpu.vector_load %arg7[%get3A_1002, %get3A_1003] {strides = array<i32>} : memref<512x128xf32, #tpu.memory_space<vmem>>, vector<1x16xf32>,
      %get3A_1005 = vector.shape_cast %get3A_1004 : vector<1x16xf32> to vector<16xf32>
      %mul3A_1006 = arith.constant 64 : i32
      %mul3A_1007 = arith.muli %add3A_992, %mul3A_1006 : i32
      %add3A_1008 = arith.constant 0 : i32
      %add3A_1009 = arith.addi %mul3A_1007, %add3A_1008 : i32
      %swap3A_1010 = arith.index_cast %add3A_1009 : i32 to index
      %swap3A_1011 = tpu.vector_load %arg8[%swap3A_1010] {strides = array<i32>} : memref<32768xf32, #tpu.memory_space<vmem>>, vector<16xf32>,
      %swap3A_1012 = vector.shape_cast %swap3A_1011 : vector<16xf32> to vector<16xf32>
      %swap3A_1013 = vector.shape_cast %get3A_1005 : vector<16xf32> to vector<16xf32>
      tpu.vector_store %arg8[%swap3A_1010], %swap3A_1013 {strides = array<i32>} : memref<32768xf32, #tpu.memory_space<vmem>>, vector<16xf32>,
      %add3A_1014 = arith.constant 16 : i32
      %add3A_1015 = arith.addi %mul3A_999, %add3A_1014 : i32
      %get3A_1016 = arith.index_cast %add3A_992 : i32 to index
      %get3A_1017 = arith.index_cast %add3A_1015 : i32 to index
      %get3A_1018 = tpu.vector_load %arg7[%get3A_1016, %get3A_1017] {strides = array<i32>} : memref<512x128xf32, #tpu.memory_space<vmem>>, vector<1x16xf32>,
      %get3A_1019 = vector.shape_cast %get3A_1018 : vector<1x16xf32> to vector<16xf32>
      %mul3A_1020 = arith.constant 64 : i32
      %mul3A_1021 = arith.muli %add3A_992, %mul3A_1020 : i32
      %add3A_1022 = arith.constant 16 : i32
      %add3A_1023 = arith.addi %mul3A_1021, %add3A_1022 : i32
      %swap3A_1024 = arith.index_cast %add3A_1023 : i32 to index
      %swap3A_1025 = tpu.vector_load %arg8[%swap3A_1024] {strides = array<i32>} : memref<32768xf32, #tpu.memory_space<vmem>>, vector<16xf32>,
      %swap3A_1026 = vector.shape_cast %swap3A_1025 : vector<16xf32> to vector<16xf32>
      %swap3A_1027 = vector.shape_cast %get3A_1019 : vector<16xf32> to vector<16xf32>
      tpu.vector_store %arg8[%swap3A_1024], %swap3A_1027 {strides = array<i32>} : memref<32768xf32, #tpu.memory_space<vmem>>, vector<16xf32>,
      %add3A_1028 = arith.constant 32 : i32
      %add3A_1029 = arith.addi %mul3A_999, %add3A_1028 : i32
      %get3A_1030 = arith.index_cast %add3A_992 : i32 to index
      %get3A_1031 = arith.index_cast %add3A_1029 : i32 to index
      %get3A_1032 = tpu.vector_load %arg7[%get3A_1030, %get3A_1031] {strides = array<i32>} : memref<512x128xf32, #tpu.memory_space<vmem>>, vector<1x16xf32>,
      %get3A_1033 = vector.shape_cast %get3A_1032 : vector<1x16xf32> to vector<16xf32>
      %mul3A_1034 = arith.constant 64 : i32
      %mul3A_1035 = arith.muli %add3A_992, %mul3A_1034 : i32
      %add3A_1036 = arith.constant 32 : i32
      %add3A_1037 = arith.addi %mul3A_1035, %add3A_1036 : i32
      %swap3A_1038 = arith.index_cast %add3A_1037 : i32 to index
      %swap3A_1039 = tpu.vector_load %arg8[%swap3A_1038] {strides = array<i32>} : memref<32768xf32, #tpu.memory_space<vmem>>, vector<16xf32>,
      %swap3A_1040 = vector.shape_cast %swap3A_1039 : vector<16xf32> to vector<16xf32>
      %swap3A_1041 = vector.shape_cast %get3A_1033 : vector<16xf32> to vector<16xf32>
      tpu.vector_store %arg8[%swap3A_1038], %swap3A_1041 {strides = array<i32>} : memref<32768xf32, #tpu.memory_space<vmem>>, vector<16xf32>,
      %add3A_1042 = arith.constant 48 : i32
      %add3A_1043 = arith.addi %mul3A_999, %add3A_1042 : i32
      %get3A_1044 = arith.index_cast %add3A_992 : i32 to index
      %get3A_1045 = arith.index_cast %add3A_1043 : i32 to index
      %get3A_1046 = tpu.vector_load %arg7[%get3A_1044, %get3A_1045] {strides = array<i32>} : memref<512x128xf32, #tpu.memory_space<vmem>>, vector<1x16xf32>,
      %get3A_1047 = vector.shape_cast %get3A_1046 : vector<1x16xf32> to vector<16xf32>
      %mul3A_1048 = arith.constant 64 : i32
      %mul3A_1049 = arith.muli %add3A_992, %mul3A_1048 : i32
      %add3A_1050 = arith.constant 48 : i32
      %add3A_1051 = arith.addi %mul3A_1049, %add3A_1050 : i32
      %swap3A_1052 = arith.index_cast %add3A_1051 : i32 to index
      %swap3A_1053 = tpu.vector_load %arg8[%swap3A_1052] {strides = array<i32>} : memref<32768xf32, #tpu.memory_space<vmem>>, vector<16xf32>,
      %swap3A_1054 = vector.shape_cast %swap3A_1053 : vector<16xf32> to vector<16xf32>
      %swap3A_1055 = vector.shape_cast %get3A_1047 : vector<16xf32> to vector<16xf32>
      tpu.vector_store %arg8[%swap3A_1052], %swap3A_1055 {strides = array<i32>} : memref<32768xf32, #tpu.memory_space<vmem>>, vector<16xf32>,
      %mul3A_1056 = arith.constant 16 : i32
      %mul3A_1057 = arith.muli %scan3A_117, %mul3A_1056 : i32
      %add3A_1058 = arith.constant 14 : i32
      %add3A_1059 = arith.addi %mul3A_1057, %add3A_1058 : i32
      %slice3A_1060 = vector.extract_strided_slice %get3A_122 {offsets = [14], sizes = [1], strides = [1]} : vector<16xi32> to vector<1xi32>
      %squeeze3A_1061 = vector.extract %slice3A_1060[0] : i32 from vector<1xi32>
      %ge3A_1062 = arith.constant 499712 : i32
      %ge3A_1063 = arith.cmpi sge, %squeeze3A_1061, %ge3A_1062 : i32
      %convert_element_type3A_1064 = arith.extui %ge3A_1063 : i1 to i32
      %mul3A_1065 = arith.constant 64 : i32
      %mul3A_1066 = arith.muli %convert_element_type3A_1064, %mul3A_1065 : i32
      %add3A_1067 = arith.constant 0 : i32
      %add3A_1068 = arith.addi %mul3A_1066, %add3A_1067 : i32
      %get3A_1069 = arith.index_cast %add3A_1059 : i32 to index
      %get3A_1070 = arith.index_cast %add3A_1068 : i32 to index
      %get3A_1071 = tpu.vector_load %arg7[%get3A_1069, %get3A_1070] {strides = array<i32>} : memref<512x128xf32, #tpu.memory_space<vmem>>, vector<1x16xf32>,
      %get3A_1072 = vector.shape_cast %get3A_1071 : vector<1x16xf32> to vector<16xf32>
      %mul3A_1073 = arith.constant 64 : i32
      %mul3A_1074 = arith.muli %add3A_1059, %mul3A_1073 : i32
      %add3A_1075 = arith.constant 0 : i32
      %add3A_1076 = arith.addi %mul3A_1074, %add3A_1075 : i32
      %swap3A_1077 = arith.index_cast %add3A_1076 : i32 to index
      %swap3A_1078 = tpu.vector_load %arg8[%swap3A_1077] {strides = array<i32>} : memref<32768xf32, #tpu.memory_space<vmem>>, vector<16xf32>,
      %swap3A_1079 = vector.shape_cast %swap3A_1078 : vector<16xf32> to vector<16xf32>
      %swap3A_1080 = vector.shape_cast %get3A_1072 : vector<16xf32> to vector<16xf32>
      tpu.vector_store %arg8[%swap3A_1077], %swap3A_1080 {strides = array<i32>} : memref<32768xf32, #tpu.memory_space<vmem>>, vector<16xf32>,
      %add3A_1081 = arith.constant 16 : i32
      %add3A_1082 = arith.addi %mul3A_1066, %add3A_1081 : i32
      %get3A_1083 = arith.index_cast %add3A_1059 : i32 to index
      %get3A_1084 = arith.index_cast %add3A_1082 : i32 to index
      %get3A_1085 = tpu.vector_load %arg7[%get3A_1083, %get3A_1084] {strides = array<i32>} : memref<512x128xf32, #tpu.memory_space<vmem>>, vector<1x16xf32>,
      %get3A_1086 = vector.shape_cast %get3A_1085 : vector<1x16xf32> to vector<16xf32>
      %mul3A_1087 = arith.constant 64 : i32
      %mul3A_1088 = arith.muli %add3A_1059, %mul3A_1087 : i32
      %add3A_1089 = arith.constant 16 : i32
      %add3A_1090 = arith.addi %mul3A_1088, %add3A_1089 : i32
      %swap3A_1091 = arith.index_cast %add3A_1090 : i32 to index
      %swap3A_1092 = tpu.vector_load %arg8[%swap3A_1091] {strides = array<i32>} : memref<32768xf32, #tpu.memory_space<vmem>>, vector<16xf32>,
      %swap3A_1093 = vector.shape_cast %swap3A_1092 : vector<16xf32> to vector<16xf32>
      %swap3A_1094 = vector.shape_cast %get3A_1086 : vector<16xf32> to vector<16xf32>
      tpu.vector_store %arg8[%swap3A_1091], %swap3A_1094 {strides = array<i32>} : memref<32768xf32, #tpu.memory_space<vmem>>, vector<16xf32>,
      %add3A_1095 = arith.constant 32 : i32
      %add3A_1096 = arith.addi %mul3A_1066, %add3A_1095 : i32
      %get3A_1097 = arith.index_cast %add3A_1059 : i32 to index
      %get3A_1098 = arith.index_cast %add3A_1096 : i32 to index
      %get3A_1099 = tpu.vector_load %arg7[%get3A_1097, %get3A_1098] {strides = array<i32>} : memref<512x128xf32, #tpu.memory_space<vmem>>, vector<1x16xf32>,
      %get3A_1100 = vector.shape_cast %get3A_1099 : vector<1x16xf32> to vector<16xf32>
      %mul3A_1101 = arith.constant 64 : i32
      %mul3A_1102 = arith.muli %add3A_1059, %mul3A_1101 : i32
      %add3A_1103 = arith.constant 32 : i32
      %add3A_1104 = arith.addi %mul3A_1102, %add3A_1103 : i32
      %swap3A_1105 = arith.index_cast %add3A_1104 : i32 to index
      %swap3A_1106 = tpu.vector_load %arg8[%swap3A_1105] {strides = array<i32>} : memref<32768xf32, #tpu.memory_space<vmem>>, vector<16xf32>,
      %swap3A_1107 = vector.shape_cast %swap3A_1106 : vector<16xf32> to vector<16xf32>
      %swap3A_1108 = vector.shape_cast %get3A_1100 : vector<16xf32> to vector<16xf32>
      tpu.vector_store %arg8[%swap3A_1105], %swap3A_1108 {strides = array<i32>} : memref<32768xf32, #tpu.memory_space<vmem>>, vector<16xf32>,
      %add3A_1109 = arith.constant 48 : i32
      %add3A_1110 = arith.addi %mul3A_1066, %add3A_1109 : i32
      %get3A_1111 = arith.index_cast %add3A_1059 : i32 to index
      %get3A_1112 = arith.index_cast %add3A_1110 : i32 to index
      %get3A_1113 = tpu.vector_load %arg7[%get3A_1111, %get3A_1112] {strides = array<i32>} : memref<512x128xf32, #tpu.memory_space<vmem>>, vector<1x16xf32>,
      %get3A_1114 = vector.shape_cast %get3A_1113 : vector<1x16xf32> to vector<16xf32>
      %mul3A_1115 = arith.constant 64 : i32
      %mul3A_1116 = arith.muli %add3A_1059, %mul3A_1115 : i32
      %add3A_1117 = arith.constant 48 : i32
      %add3A_1118 = arith.addi %mul3A_1116, %add3A_1117 : i32
      %swap3A_1119 = arith.index_cast %add3A_1118 : i32 to index
      %swap3A_1120 = tpu.vector_load %arg8[%swap3A_1119] {strides = array<i32>} : memref<32768xf32, #tpu.memory_space<vmem>>, vector<16xf32>,
      %swap3A_1121 = vector.shape_cast %swap3A_1120 : vector<16xf32> to vector<16xf32>
      %swap3A_1122 = vector.shape_cast %get3A_1114 : vector<16xf32> to vector<16xf32>
      tpu.vector_store %arg8[%swap3A_1119], %swap3A_1122 {strides = array<i32>} : memref<32768xf32, #tpu.memory_space<vmem>>, vector<16xf32>,
      %mul3A_1123 = arith.constant 16 : i32
      %mul3A_1124 = arith.muli %scan3A_117, %mul3A_1123 : i32
      %add3A_1125 = arith.constant 15 : i32
      %add3A_1126 = arith.addi %mul3A_1124, %add3A_1125 : i32
      %slice3A_1127 = vector.extract_strided_slice %get3A_122 {offsets = [15], sizes = [1], strides = [1]} : vector<16xi32> to vector<1xi32>
      %squeeze3A_1128 = vector.extract %slice3A_1127[0] : i32 from vector<1xi32>
      %ge3A_1129 = arith.constant 499712 : i32
      %ge3A_1130 = arith.cmpi sge, %squeeze3A_1128, %ge3A_1129 : i32
      %convert_element_type3A_1131 = arith.extui %ge3A_1130 : i1 to i32
      %mul3A_1132 = arith.constant 64 : i32
      %mul3A_1133 = arith.muli %convert_element_type3A_1131, %mul3A_1132 : i32
      %add3A_1134 = arith.constant 0 : i32
      %add3A_1135 = arith.addi %mul3A_1133, %add3A_1134 : i32
      %get3A_1136 = arith.index_cast %add3A_1126 : i32 to index
      %get3A_1137 = arith.index_cast %add3A_1135 : i32 to index
      %get3A_1138 = tpu.vector_load %arg7[%get3A_1136, %get3A_1137] {strides = array<i32>} : memref<512x128xf32, #tpu.memory_space<vmem>>, vector<1x16xf32>,
      %get3A_1139 = vector.shape_cast %get3A_1138 : vector<1x16xf32> to vector<16xf32>
      %mul3A_1140 = arith.constant 64 : i32
      %mul3A_1141 = arith.muli %add3A_1126, %mul3A_1140 : i32
      %add3A_1142 = arith.constant 0 : i32
      %add3A_1143 = arith.addi %mul3A_1141, %add3A_1142 : i32
      %swap3A_1144 = arith.index_cast %add3A_1143 : i32 to index
      %swap3A_1145 = tpu.vector_load %arg8[%swap3A_1144] {strides = array<i32>} : memref<32768xf32, #tpu.memory_space<vmem>>, vector<16xf32>,
      %swap3A_1146 = vector.shape_cast %swap3A_1145 : vector<16xf32> to vector<16xf32>
      %swap3A_1147 = vector.shape_cast %get3A_1139 : vector<16xf32> to vector<16xf32>
      tpu.vector_store %arg8[%swap3A_1144], %swap3A_1147 {strides = array<i32>} : memref<32768xf32, #tpu.memory_space<vmem>>, vector<16xf32>,
      %add3A_1148 = arith.constant 16 : i32
      %add3A_1149 = arith.addi %mul3A_1133, %add3A_1148 : i32
      %get3A_1150 = arith.index_cast %add3A_1126 : i32 to index
      %get3A_1151 = arith.index_cast %add3A_1149 : i32 to index
      %get3A_1152 = tpu.vector_load %arg7[%get3A_1150, %get3A_1151] {strides = array<i32>} : memref<512x128xf32, #tpu.memory_space<vmem>>, vector<1x16xf32>,
      %get3A_1153 = vector.shape_cast %get3A_1152 : vector<1x16xf32> to vector<16xf32>
      %mul3A_1154 = arith.constant 64 : i32
      %mul3A_1155 = arith.muli %add3A_1126, %mul3A_1154 : i32
      %add3A_1156 = arith.constant 16 : i32
      %add3A_1157 = arith.addi %mul3A_1155, %add3A_1156 : i32
      %swap3A_1158 = arith.index_cast %add3A_1157 : i32 to index
      %swap3A_1159 = tpu.vector_load %arg8[%swap3A_1158] {strides = array<i32>} : memref<32768xf32, #tpu.memory_space<vmem>>, vector<16xf32>,
      %swap3A_1160 = vector.shape_cast %swap3A_1159 : vector<16xf32> to vector<16xf32>
      %swap3A_1161 = vector.shape_cast %get3A_1153 : vector<16xf32> to vector<16xf32>
      tpu.vector_store %arg8[%swap3A_1158], %swap3A_1161 {strides = array<i32>} : memref<32768xf32, #tpu.memory_space<vmem>>, vector<16xf32>,
      %add3A_1162 = arith.constant 32 : i32
      %add3A_1163 = arith.addi %mul3A_1133, %add3A_1162 : i32
      %get3A_1164 = arith.index_cast %add3A_1126 : i32 to index
      %get3A_1165 = arith.index_cast %add3A_1163 : i32 to index
      %get3A_1166 = tpu.vector_load %arg7[%get3A_1164, %get3A_1165] {strides = array<i32>} : memref<512x128xf32, #tpu.memory_space<vmem>>, vector<1x16xf32>,
      %get3A_1167 = vector.shape_cast %get3A_1166 : vector<1x16xf32> to vector<16xf32>
      %mul3A_1168 = arith.constant 64 : i32
      %mul3A_1169 = arith.muli %add3A_1126, %mul3A_1168 : i32
      %add3A_1170 = arith.constant 32 : i32
      %add3A_1171 = arith.addi %mul3A_1169, %add3A_1170 : i32
      %swap3A_1172 = arith.index_cast %add3A_1171 : i32 to index
      %swap3A_1173 = tpu.vector_load %arg8[%swap3A_1172] {strides = array<i32>} : memref<32768xf32, #tpu.memory_space<vmem>>, vector<16xf32>,
      %swap3A_1174 = vector.shape_cast %swap3A_1173 : vector<16xf32> to vector<16xf32>
      %swap3A_1175 = vector.shape_cast %get3A_1167 : vector<16xf32> to vector<16xf32>
      tpu.vector_store %arg8[%swap3A_1172], %swap3A_1175 {strides = array<i32>} : memref<32768xf32, #tpu.memory_space<vmem>>, vector<16xf32>,
      %add3A_1176 = arith.constant 48 : i32
      %add3A_1177 = arith.addi %mul3A_1133, %add3A_1176 : i32
      %get3A_1178 = arith.index_cast %add3A_1126 : i32 to index
      %get3A_1179 = arith.index_cast %add3A_1177 : i32 to index
      %get3A_1180 = tpu.vector_load %arg7[%get3A_1178, %get3A_1179] {strides = array<i32>} : memref<512x128xf32, #tpu.memory_space<vmem>>, vector<1x16xf32>,
      %get3A_1181 = vector.shape_cast %get3A_1180 : vector<1x16xf32> to vector<16xf32>
      %mul3A_1182 = arith.constant 64 : i32
      %mul3A_1183 = arith.muli %add3A_1126, %mul3A_1182 : i32
      %add3A_1184 = arith.constant 48 : i32
      %add3A_1185 = arith.addi %mul3A_1183, %add3A_1184 : i32
      %swap3A_1186 = arith.index_cast %add3A_1185 : i32 to index
      %swap3A_1187 = tpu.vector_load %arg8[%swap3A_1186] {strides = array<i32>} : memref<32768xf32, #tpu.memory_space<vmem>>, vector<16xf32>,
      %swap3A_1188 = vector.shape_cast %swap3A_1187 : vector<16xf32> to vector<16xf32>
      %swap3A_1189 = vector.shape_cast %get3A_1181 : vector<16xf32> to vector<16xf32>
      tpu.vector_store %arg8[%swap3A_1186], %swap3A_1189 {strides = array<i32>} : memref<32768xf32, #tpu.memory_space<vmem>>, vector<16xf32>,
      %scan3A_1190 = arith.constant 0 : i32
      scf.yield %scan3A_1190 : i32
    }
    %scan3A_114 = arith.constant 32 : i32
    %mul3A_115 = arith.constant 64 : i32
    %mul3A_116 = arith.muli %mul3A_2, %mul3A_115 : i32
    "tpu.region"() ({
      %run_scoped3A = tpu.sem_alloc : memref<!tpu.dma_semaphore, #tpu.memory_space<semaphore_mem>>
      %dma_start3A_117 = tpu.memref_slice %arg4[%mul3A_116] : memref<1048576xf32, #tpu.memory_space<hbm>> -> memref<32768xf32, #tpu.memory_space<hbm>>
      %dma_start3A_118 = tpu.memref_slice %arg4[%mul3A_116] : memref<1048576xf32, #tpu.memory_space<hbm>> -> memref<32768xf32, #tpu.memory_space<hbm>>
      tpu.enqueue_dma source(%arg8 : memref<32768xf32, #tpu.memory_space<vmem>>) target(%dma_start3A_118 : memref<32768xf32, #tpu.memory_space<hbm>>) target_semaphore(%run_scoped3A : memref<!tpu.dma_semaphore, #tpu.memory_space<semaphore_mem>>)
      %dma_wait3A_119 = tpu.memref_slice %arg4[%mul3A_116] : memref<1048576xf32, #tpu.memory_space<hbm>> -> memref<32768xf32, #tpu.memory_space<hbm>>
      %dma_wait3A_120 = tpu.memref_slice %arg4[%mul3A_116] : memref<1048576xf32, #tpu.memory_space<hbm>> -> memref<32768xf32, #tpu.memory_space<hbm>>
      tpu.wait_dma2 semaphore(%run_scoped3A : memref<!tpu.dma_semaphore, #tpu.memory_space<semaphore_mem>>) src(%arg8 : memref<32768xf32, #tpu.memory_space<vmem>>) dst(%dma_wait3A_120 : memref<32768xf32, #tpu.memory_space<hbm>>)
      tpu.yield
    }) : () -> ()
    return
  }
}

module attributes {stable_mosaic.version = 14 : i64} {
  func.func @body(%arg0: i32, %arg1: memref<64x8192xf32, #tpu.memory_space<vmem>>, %arg2: memref<64x8192xf32, #tpu.memory_space<vmem>>, %arg3: memref<8192x128xf32, #tpu.memory_space<vmem>>) attributes {dimension_semantics = [#tpu.dimension_semantics<arbitrary>], iteration_bounds = array<i64: 62>, scalar_prefetch = 0 : i64, scratch_operands = 0 : i64, tpu.core_type = #tpu.core_type<tc>, window_params = [{transform_indices = @transform_0, window_bounds = array<i64: 64, 8192>}, {transform_indices = @transform_1, window_bounds = array<i64: 64, 8192>}, {transform_indices = @transform_2, window_bounds = array<i64: 8192, 128>}]} {
    %get3A = arith.constant 0 : index
    %get3A_0 = arith.constant 0 : index
    %get3A_1 = vector.load %arg1[%get3A, %get3A_0] : memref<64x8192xf32, #tpu.memory_space<vmem>>, vector<64x8192xf32>
    %transpose3A = tpu.transpose %get3A_1, [1, 0] : vector<64x8192xf32> -> vector<8192x64xf32>
    %get3A_2 = arith.constant 0 : index
    %get3A_3 = arith.constant 0 : index
    %get3A_4 = vector.load %arg2[%get3A_2, %get3A_3] : memref<64x8192xf32, #tpu.memory_space<vmem>>, vector<64x8192xf32>
    %transpose3A_5 = tpu.transpose %get3A_4, [1, 0] : vector<64x8192xf32> -> vector<8192x64xf32>
    %concatenate3A = tpu.concatenate %transpose3A, %transpose3A_5 in 1 : vector<8192x64xf32>, vector<8192x64xf32> -> vector<8192x128xf32>
    %swap3A = arith.constant 0 : index
    %swap3A_6 = arith.constant 0 : index
    %swap3A_7 = vector.load %arg3[%swap3A, %swap3A_6] : memref<8192x128xf32, #tpu.memory_space<vmem>>, vector<8192x128xf32>
    tpu.vector_store %arg3[%swap3A, %swap3A_6], %concatenate3A {strides = array<i32>} : memref<8192x128xf32, #tpu.memory_space<vmem>>, vector<8192x128xf32>,
    return
  }
  func.func @transform_0(%arg0: i32) -> (i32, i32) {
    %lt3A = arith.constant 61 : i32
    %lt3A_0 = arith.cmpi slt, %arg0, %lt3A : i32
    %add3A = arith.constant 61 : i32
    %add3A_1 = arith.addi %arg0, %add3A : i32
    %select_n3A = arith.select %lt3A_0, %arg0, %add3A_1 : i32
    %c0_i32 = arith.constant 0 : i32
    %c0_i32_2 = arith.constant 0 : i32
    return %c0_i32, %select_n3A : i32, i32
  }
  func.func @transform_1(%arg0: i32) -> (i32, i32) {
    %add3A = arith.constant 61 : i32
    %add3A_0 = arith.addi %arg0, %add3A : i32
    %c0_i32 = arith.constant 0 : i32
    %c0_i32_1 = arith.constant 0 : i32
    return %c0_i32, %add3A_0 : i32, i32
  }
  func.func @transform_2(%arg0: i32) -> (i32, i32) {
    %c0_i32 = arith.constant 0 : i32
    %c0_i32_0 = arith.constant 0 : i32
    return %arg0, %c0_i32 : i32, i32
  }
}

</mosaic_0001>

<sc_bundles>
// kernel: kernel.4.cloned.1.call-start
scs
__scs_entry_jumppad:
0x0: {  	(pc) =	sbr.rel $0x88, $3  }
0x1: {  	(tag) =	ssettag $0x0;
	lr =	simm.s32 $0x1  }
0x2: {  	[smem:$0x3F9F] =	sst lr;
	_ =	strace $0xD0000000  }
0x3: {  	_ = 	snop  }
0x4: {  	_ = 	snop  }
0x5: {  	_ = 	snop  }
0x6: {  	_ = 	snop  }
0x7: {  	_ = 	snop  }
__scs_overlays_trampoline_lowered:
0x8: {  	[smem:$0x3FAE] =	sst s0  }
0x9: {  	[smem:$0x3FAF] =	sst s1  }
0xa: {  	[smem:$0x3FB0] =	sst s2  }
0xb: {  	[smem:$0x3FB1] =	sst s3  }
0xc: {  	[smem:$0x3FB2] =	sst s4  }
0xd: {  	[smem:$0x3FB3] =	sst s5  }
0xe: {  	[smem:$0x3FB4] =	sst s6  }
0xf: {  	[smem:$0x3FB5] =	sst s7  }
0x10: {  	[smem:$0x3FB6] =	sst s8  }
0x11: {  	[smem:$0x3FB7] =	sst s9;
	s0 =	simm.s32 @!p0 $0x0  }
0x12: {  	s1 =	sld [smem:$0x3F9D];
	s0 =	simm.s32 @p0 $0x1  }
0x13: {  	[smem:$0x3FB8] =	sst s0;
	s0 =	simm.s32 @!p1 $0x0  }
0x14: {  	s2 =	sld [smem:$0x3F9C];
	s0 =	simm.s32 @p1 $0x1  }
0x15: {  	[smem:$0x3FB9] =	sst s0;
	s0 =	simm.s32 @!p2 $0x0  }
0x16: {  	s3 =	sld [smem:$0x3FDB];
	s0 =	simm.s32 @p2 $0x1  }
0x17: {  	s4 =	simm.s32 $0x1BF5;
	[smem:$0x3FBB] =	sst s0  }
0x18: {  	s0 =	sld [smem:$0x3F9E];
	_ =	swait.ge [sflag:s4], $0x0  }
0x19: {  	s7 =	sld [smem:$0x3F9F]  }
0x1a: {  	s8 =	sadd.s32 $0xFFFFE003, lr  }
0x1b: {  	s9 =	sadd.s32 $0xFFFFFEF7, lr;
	s5 =	simm.s32 $0xFFFFFFFF;
	p2 =	slt.u32 s8, $0xFFFFF086  }
0x1c: {  	p1 =	slt.u32 s9, $0xF7A;
	s5 =	simm.s32 @!p2 $0x0  }
0x1d: {  	s5 =	simm.s32 @p1 $0x1;
	p0 =	seq.s32 s7, s2  }
0x1e: {  	s7 =	smul.u32 @!p0 $0xF7A, s2;
	p2 =	seq.s32 @!p0 s5, $0x0  }
0x1f: {  	s9 =	smul.u32 $0xF7A, s1;
	s8 =	simm.s32 @!p0 $0x1BF5;
	p2 =	por !p2, p0  }
0x20: {  	[sflag:s8] =	ssyncset.s32 @!p0 $0xFFFFF086;
	s6 =	sadd.s32 @!p0 s3, s7;
	s7 =	simm.s32 @!p0 $0x108  }
0x21: {  	s3 =	sadd.s32 s3, s9;
	s6 =	sadd.s32 @!p0 $0x88, s6;
	s7 =	simm.s32 @p2 $0x1082  }
0x22: {  	[simem:s7], [sflag:s8] =	dma.local @!p0 [hbm:s6], $0xF7A  }
0x23: {  	s9 =	sor.u32 $0xD0000000, s2;
	s6 =	simm.s32 $0x108;
	_ =	swait.ge @!p0 [sflag:s8], $0x0  }
0x24: {  	s3 =	sadd.s32 $0x88, s3;
	s6 =	simm.s32 @!p1 $0x1082;
	[sflag:s4] =	ssyncset.s32 $0xFFFFF086  }
0x25: {  	[simem:s6], [sflag:s4] =	dma.local [hbm:s3], $0xF7A  }
0x26: {  	[smem:$0x3F9F] =	sst s1;
	(tag) =	ssettag s2;
	_ =	strace s9  }
0x27: {  	s1 =	sld [smem:$0x3FAF]  }
0x28: {  	s2 =	sld [smem:$0x3FB0]  }
0x29: {  	s4 =	sld [smem:$0x3FB2]  }
0x2a: {  	p0 =	seq.s32 s5, $0x0;
	s5 =	sld [smem:$0x3FB3]  }
0x2b: {  	s6 =	sld [smem:$0x3FB4]  }
0x2c: {  	s7 =	sld [smem:$0x3FB5]  }
0x2d: {  	s3 =	simm.s32 $0x108;
	s8 =	sld [smem:$0x3FB6]  }
0x2e: {  	s3 =	simm.s32 @!p0 $0x1082;
	s9 =	sld [smem:$0x3FB7]  }
0x2f: {  	lr =	sadd.s32 s0, s3;
	s0 =	sld [smem:$0x3FAE]  }
0x30: {  	s3 =	sld [smem:$0x3FB1]  }
0x31: {  	[smem:$0x3FBA] =	sst s10  }
0x32: {  	s10 =	sld [smem:$0x3FB8];
	_ =	sdelay $0x3  }
0x33: {  	p0 =	seq.s32 s10, $0x1;
	s10 =	sld [smem:$0x3FBA];
	_ =	sdelay $0x3  }
0x34: {  	[smem:$0x3FBA] =	sst s10  }
0x35: {  	s10 =	sld [smem:$0x3FB9];
	_ =	sdelay $0x3  }
0x36: {  	p1 =	seq.s32 s10, $0x1;
	s10 =	sld [smem:$0x3FBA];
	_ =	sdelay $0x3  }
0x37: {  	[smem:$0x3FBA] =	sst s10  }
0x38: {  	s10 =	sld [smem:$0x3FBB]  }
0x39: {  	_ = 	snop;
	(pc) =	sbr.ind lr, $3  }
0x3a: {  	_ = 	snop  }
0x3b: {  	_ = 	snop  }
0x3c: {  	p2 =	seq.s32 s10, $0x1;
	s10 =	sld [smem:$0x3FBA]  }
0x3d: {  	_ =	shalt  }
0x3e: {  	_ =	shalt  }
0x3f: {  	_ =	shalt  }
0x40: {  	_ =	shalt  }
0x41: {  	_ =	shalt  }
0x42: {  	_ =	shalt  }
0x43: {  	_ =	shalt  }
0x44: {  	_ =	shalt  }
0x45: {  	_ =	shalt  }
0x46: {  	_ =	shalt  }
0x47: {  	_ =	shalt  }
0x48: {  	_ =	shalt  }
0x49: {  	_ =	shalt  }
0x4a: {  	_ =	shalt  }
0x4b: {  	_ =	shalt  }
0x4c: {  	_ =	shalt  }
0x4d: {  	_ =	shalt  }
0x4e: {  	_ =	shalt  }
0x4f: {  	_ =	shalt  }
0x50: {  	_ =	shalt  }
0x51: {  	_ =	shalt  }
0x52: {  	_ =	shalt  }
0x53: {  	_ =	shalt  }
0x54: {  	_ =	shalt  }
0x55: {  	_ =	shalt  }
0x56: {  	_ =	shalt  }
0x57: {  	_ =	shalt  }
0x58: {  	_ =	shalt  }
0x59: {  	_ =	shalt  }
0x5a: {  	_ =	shalt  }
0x5b: {  	_ =	shalt  }
0x5c: {  	_ =	shalt  }
0x5d: {  	_ =	shalt  }
0x5e: {  	_ =	shalt  }
0x5f: {  	_ =	shalt  }
0x60: {  	_ =	shalt  }
0x61: {  	_ =	shalt  }
0x62: {  	_ =	shalt  }
0x63: {  	_ =	shalt  }
0x64: {  	_ =	shalt  }
0x65: {  	_ =	shalt  }
0x66: {  	_ =	shalt  }
0x67: {  	_ =	shalt  }
0x68: {  	_ =	shalt  }
0x69: {  	_ =	shalt  }
0x6a: {  	_ =	shalt  }
0x6b: {  	_ =	shalt  }
0x6c: {  	_ =	shalt  }
0x6d: {  	_ =	shalt  }
0x6e: {  	_ =	shalt  }
0x6f: {  	_ =	shalt  }
0x70: {  	_ =	shalt  }
0x71: {  	_ =	shalt  }
0x72: {  	_ =	shalt  }
0x73: {  	_ =	shalt  }
0x74: {  	_ =	shalt  }
0x75: {  	_ =	shalt  }
0x76: {  	_ =	shalt  }
0x77: {  	_ =	shalt  }
0x78: {  	_ =	shalt  }
0x79: {  	_ =	shalt  }
0x7a: {  	_ =	shalt  }
0x7b: {  	_ =	shalt  }
0x7c: {  	_ =	shalt  }
0x7d: {  	_ =	shalt  }
0x7e: {  	_ =	shalt  }
0x7f: {  	_ =	shalt  }
0x80: {  	_ =	shalt  }
0x81: {  	_ =	shalt  }
0x82: {  	_ =	shalt  }
0x83: {  	_ =	shalt  }
0x84: {  	_ =	shalt  }
0x85: {  	_ =	shalt  }
0x86: {  	_ =	shalt  }
0x87: {  	_ =	shalt  }
.Lfunc_end0:
.L_simem_size_0:
called_computation_lowered:
.L_overlay_start_0:
0x88: {  	s2 =	sld [smem:$0x3FD9]  }
0x89: {  	s3 =	sld [smem:$0x3FFE];
	_ =	sdelay $0x1  }
0x8a: {  	s1 =	srdreg.scid  }
0x8b: {  	s0 =	sand.u32 $0x1, s1  }
0x8c: {  	s17 =	sshll.u32 s0, $0xA;
	s2 =	sadd.s32 s3, s2  }
0x8d: {  	s2 =	sadd.s32 s2, s17  }
0x8e: {  	[smem:$0x3FC6] =	sst s2  }
0x8f: {  	_ = 	snop  }
0x90: {  	s2 =	sld [smem:$0x3FC9]  }
0x91: {  	s18 =	sld [smem:$0x3FD0];
	(tm) =	ssettm $0x1  }
0x92: {  	s4 =	sld [smem:$0x3FFB];
	_ =	sdelay $0x3  }
0x93: {  	_ =	strace s4  }
0x94: {  	s4 =	sld [smem:$0x3FFC];
	_ =	sdelay $0x3  }
0x95: {  	_ =	strace s4  }
0x96: {  	s4 =	sld [smem:$0x3FFD];
	_ =	sdelay $0x3  }
0x97: {  	_ =	strace s4  }
0x98: {  	_ =	strace $0x8FFFFFFF  }
0x99: {  	s19 =	sld [smem:$0x3FDB];
	_ =	sdelay $0x1  }
0x9a: {  	s5 =	simm.s32 $_scs_section_size  }
0x9b: {  	s6 =	simm.s32 $_size__tile_overlayer_lowered;
	s7 =	simm.s32 $_tile_overlayer_lowered  }
0x9c: {  	s22 =	simm.s32 $0x1BFF;
	s21 =	sshll.u32 s7, $0x1;
	s4 =	sadd.s32 s5, s19  }
0x9d: {  	s8 =	simm.s32 $0x0;
	s20 =	sshll.u32 s6, $0x1;
	s6 =	sadd.s32 s21, s4  }
0x9e: {  	[timem:s8], [sflag:s22] =	dma.local [hbm:s6], s20  }
0x9f: {  	_ =	swait.ge [sflag:s22], s20  }
0xa0: {  	s5 =	ssub.s32 $0x0, s20;
	[sflag:s22] =	ssyncset.done $0x0  }
0xa1: {  	[sflag:s22] =	ssyncadd.s32 s5;
	_ =	sdelay $0x1  }
0xa2: {  	s23 =	simm.s32 $0x1B8B  }
0xa3: {  	_ =	swait.ge [sflag:s23], $0x1  }
0xa4: {  	[sflag:s23] =	ssyncset.done $0x0  }
0xa5: {  	s25 =	simm.s32 $0x1B8E;
	s24 =	sld [smem:$0x3FFE];
	[sflag:s23] =	ssyncadd.s32 $0xFFFFFFFF  }
0xa6: {  	s26 =	simm.s32 $execute0_lowered;
	[smem:$0x3FD2] =	sst s25  }
0xa7: {  	s6 =	sshll.u32 s26, $0x1;
	_ =	strace $0x80000046;
	[dreg:$0x1] =	wrdreg $0xFFFFFFFF  }
0xa8: {  	s28 =	simm.s32 $_size_execute0_lowered;
	s4 =	sadd.s32 s4, s6;
	[dreg:$0x0] =	wrdreg $0x0  }
0xa9: {  	s6 =	sshll.u32 s28, $0x1;
	[dreg:$0x2] =	wrdreg s4  }
0xaa: {  	[dreg:$0x3] =	wrdreg s6  }
0xab: {  	[dreg:$0x4] =	wrdreg $0xC0  }
0xac: {  	_ =	task [dreg:s8], $0x5FFFF  }
0xad: {  	[dreg:$0x1] =	wrdreg $0xFFFFFFFF  }
0xae: {  	[dreg:$0x0] =	wrdreg $0x60  }
0xaf: {  	[dreg:$0x2] =	wrdreg s24  }
0xb0: {  	[dreg:$0x3] =	wrdreg s2  }
0xb1: {  	[dreg:$0x4] =	wrdreg s18  }
0xb2: {  	[dreg:$0x5] =	wrdreg $0x9  }
0xb3: {  	_ =	task.clear_ibuf [dreg:s8], $0x6FFFF;
	_ =	strace $0x90000046  }
0xb4: {  	s29 =	simm.s32 $0x9;
	_ =	strace $0x80000048  }
0xb5: {  	_ =	swait.ge [sflag:s29], $0x1  }
0xb6: {  	[sflag:s29] =	ssyncadd.s32 $0xFFFFFFFF  }
0xb7: {  	_ =	strace $0x90000048  }
0xb8: {  	_ =	sfence  }
0xb9: {  	s30 =	sld [smem:$0x0];
	_ =	sdelay $0x2  }
0xba: {  	s31 =	sshll.u32 s1, $0xD;
	s1 =	sshrl.u32 s1, $0x2  }
0xbb: {  	s3 =	sand.u32 $0x4000, s31;
	s1 =	sadd.s32 s1, s30  }
0xbc: {  	s0 =	sor.u32 s3, s0;
	s1 =	sshll.u32 s1, $0x11  }
0xbd: {  	s0 =	sor.u32 s1, s0  }
0xbe: {  	s0 =	sadd.s32 $0x8F2B, s0  }
0xbf: {  	[sflag:s0] =	ssyncadd.remote.s32 $0x1  }
0xc0: {  	_ =	sfence.sel $0xFFFF  }
0xc1: {  	[dreg:$0x0] =	wrdreg $0xFFFFFFFF;
	(pc) =	sbr.abs _section_cstart, $3  }
0xc2: {  	[dreg:$0x1] =	wrdreg $0xFFFFFFFF  }
0xc3: {  	_ =	task.clear_ibuf [dreg:s8], $0x2FFFF;
	_ =	strace $0x9FFFFFFF  }
0xc4: {  	(tm) =	ssettm $0x7FFFFFFF  }
0xc5: {  	_ =	shalt  }
tec
execute0_lowered:
.L_overlay_start_1:
0x0: {  	(tag) =	ssettag $0x1  }
0x1: {  	s3 =	rddreg [dreg:$0x0]  }
0x2: {  	s4 =	rddreg [dreg:$0x1]  }
0x3: {  	s5 =	rddreg [dreg:$0x2]  }
0x4: {  	s0 =	rddreg [dreg:$0x3]  }
0x5: {  	s2 =	simm.s32 $0x0;
	s6 =	srdreg.scid;
	s1 =	stileid.u32  }
0x6: {  	s10 =	simm.s32 $0x400;
	s11 =	simm.s32 $0x280;
	s12 =	simm.s32 $0x4400  }
0x7: {  	s13 =	simm.s32 $0x300;
	s14 =	simm.s32 $0x8400;
	s15 =	simm.s32 $0x380  }
0x8: {  	s16 =	simm.s32 $0xC400;
	s17 =	simm.s32 $0x1;
	s18 =	simm.s32 $0x10400  }
0x9: {  	s19 =	simm.s32 $0x0;
	[smem:$0x7FF] =	sst s2;
	s6 =	sand.u32 $0x1, s6  }
0xa: {  	s7 =	sshll.u32 s1, $0x1;
	s3 =	sadd.s32 $0x400, s3;
	s8 =	ssub.s32 $0x2, s6  }
0xb: {  	_ =	strace $0x80000047;
	s6 =	sor.u32 s6, s7;
	s31 =	sshrl.u32 s8, $0x1  }
0xc: {  	s9 =	sshll.u32 s6, $0x6;
	s6 =	sshll.u32 s6, $0xC;
	s7 =	ssub.s32 s8, s31  }
0xd: {  	s4 =	sadd.s32 s4, s9;
	s5 =	sadd.s32 s5, s6;
	s8 =	simm.s32 $0x80  }
0xe: {  	s9 =	simm.s32 $0x200;
	s6 =	smax.u32 s7, $0x1;
	s7 =	simm.s32 $0x2  }
.LBB2_1:
0xf: {  	[tilespmem:s2], [sflag:$0x2] =	stream.linear.gather [hbm4b:s4+s2], $0x200, $0x38;
	[tilespmem:$0x18400] =	vst v63  }
0x10: {  	_ =	swait.ge [sflag:s7], $0x200  }
0x11: {  	[sflag:s7] =	ssyncset.done $0x0  }
0x12: {  	[sflag:s7] =	ssyncadd.s32 $0xFFFFFE00  }
0x13: {  	v0 =	vld [tilespmem:$0x0]  }
0x14: {  	v1 =	vld [tilespmem:$0x10]  }
0x15: {  	v2 =	vld [tilespmem:$0x20]  }
0x16: {  	v3 =	vld [tilespmem:$0x30]  }
0x17: {  	v4 =	vld [tilespmem:$0x40]  }
0x18: {  	v6 =	vld [tilespmem:$0x50];
	vm0 =	vgt.s32 v0, $0x79FFF;
	v5 =	vadd.s32 $0xFFF86000, v0  }
0x19: {  	v7 =	vld [tilespmem:$0x60];
	vm9 =	vgt.s32 v1, $0x79FFF;
	v32 =	vadd.s32 $0xFFF86000, v1;
	v0 =	vsel vm0, v5, v0  }
0x1a: {  	v35 =	vld [tilespmem:$0x70];
	vm10 =	vgt.s32 v2, $0x79FFF;
	v34 =	vadd.s32 $0xFFF86000, v2;
	v33 =	vsel vm9, v32, v1;
	[tilespmem:$0x200] =	vst v0  }
0x1b: {  	v38 =	vld [tilespmem:$0x80];
	vm11 =	vgt.s32 v3, $0x79FFF;
	v37 =	vadd.s32 $0xFFF86000, v3;
	v36 =	vsel vm10, v34, v2;
	[tilespmem:$0x210] =	vst v33  }
0x1c: {  	v41 =	vld [tilespmem:$0x90];
	vm12 =	vgt.s32 v4, $0x79FFF;
	v40 =	vadd.s32 $0xFFF86000, v4;
	v39 =	vsel vm11, v37, v3;
	[tilespmem:$0x220] =	vst v36  }
0x1d: {  	v44 =	vld [tilespmem:$0xA0];
	vm13 =	vgt.s32 v6, $0x79FFF;
	v43 =	vadd.s32 $0xFFF86000, v6;
	v42 =	vsel vm12, v40, v4;
	[tilespmem:$0x230] =	vst v39  }
0x1e: {  	v47 =	vld [tilespmem:$0xB0];
	vm14 =	vgt.s32 v7, $0x79FFF;
	v46 =	vadd.s32 $0xFFF86000, v7;
	v45 =	vsel vm13, v43, v6;
	[tilespmem:$0x240] =	vst v42  }
0x1f: {  	v50 =	vld [tilespmem:$0xC0];
	vm15 =	vgt.s32 v35, $0x79FFF;
	v49 =	vadd.s32 $0xFFF86000, v35;
	v48 =	vsel vm14, v46, v7;
	[tilespmem:$0x250] =	vst v45  }
0x20: {  	v53 =	vld [tilespmem:$0xD0];
	vm4 =	vgt.s32 v38, $0x79FFF;
	v52 =	vadd.s32 $0xFFF86000, v38;
	v51 =	vsel vm15, v49, v35;
	[tilespmem:$0x260] =	vst v48  }
0x21: {  	v56 =	vld [tilespmem:$0xE0];
	vm5 =	vgt.s32 v41, $0x79FFF;
	v55 =	vadd.s32 $0xFFF86000, v41;
	v54 =	vsel vm4, v52, v38;
	[tilespmem:$0x270] =	vst v51  }
0x22: {  	v59 =	vld [tilespmem:$0xF0];
	vm6 =	vgt.s32 v44, $0x79FFF;
	v58 =	vadd.s32 $0xFFF86000, v44;
	v57 =	vsel vm5, v55, v41;
	[tilespmem:$0x280] =	vst v54  }
0x23: {  	v62 =	vld [tilespmem:$0x100];
	vm7 =	vgt.s32 v47, $0x79FFF;
	v61 =	vadd.s32 $0xFFF86000, v47;
	v60 =	vsel vm6, v58, v44;
	[tilespmem:$0x290] =	vst v57  }
0x24: {  	v10 =	vld [tilespmem:$0x110];
	vm8 =	vgt.s32 v50, $0x79FFF;
	v9 =	vadd.s32 $0xFFF86000, v50;
	v63 =	vsel vm7, v61, v47;
	[tilespmem:$0x2A0] =	vst v60  }
0x25: {  	v13 =	vld [tilespmem:$0x120];
	v12 =	vadd.s32 $0xFFF86000, v53;
	v11 =	vsel vm8, v9, v50;
	vm9 =	vgt.s32 v53, $0x79FFF;
	[tilespmem:$0x2B0] =	vst v63  }
0x26: {  	v16 =	vld [tilespmem:$0x130];
	v15 =	vadd.s32 $0xFFF86000, v56;
	vm10 =	vgt.s32 v56, $0x79FFF;
	[tilespmem:$0x2C0] =	vst v11;
	v14 =	vsel vm9, v12, v53  }
0x27: {  	v19 =	vld [tilespmem:$0x140];
	v18 =	vadd.s32 $0xFFF86000, v59;
	vm11 =	vgt.s32 v59, $0x79FFF;
	v17 =	vsel vm10, v15, v56;
	[tilespmem:$0x2D0] =	vst v14  }
0x28: {  	v22 =	vld [tilespmem:$0x150];
	v21 =	vadd.s32 $0xFFF86000, v62;
	vm12 =	vgt.s32 v62, $0x79FFF;
	v20 =	vsel vm11, v18, v59;
	[tilespmem:$0x2E0] =	vst v17  }
0x29: {  	v25 =	vld [tilespmem:$0x160];
	v24 =	vadd.s32 $0xFFF86000, v10;
	vm13 =	vgt.s32 v10, $0x79FFF;
	v23 =	vsel vm12, v21, v62;
	[tilespmem:$0x2F0] =	vst v20  }
0x2a: {  	v28 =	vld [tilespmem:$0x170];
	v27 =	vadd.s32 $0xFFF86000, v13;
	vm14 =	vgt.s32 v13, $0x79FFF;
	v26 =	vsel vm13, v24, v10;
	[tilespmem:$0x300] =	vst v23  }
0x2b: {  	v31 =	vld [tilespmem:$0x180];
	v30 =	vadd.s32 $0xFFF86000, v16;
	vm15 =	vgt.s32 v16, $0x79FFF;
	v29 =	vsel vm14, v27, v13;
	[tilespmem:$0x310] =	vst v26  }
0x2c: {  	vm4 =	vgt.s32 v19, $0x79FFF;
	v34 =	vld [tilespmem:$0x190];
	v32 =	vsel vm15, v30, v16;
	v33 =	vadd.s32 $0xFFF86000, v19;
	[tilespmem:$0x320] =	vst v29  }
0x2d: {  	vm5 =	vgt.s32 v22, $0x79FFF;
	v37 =	vld [tilespmem:$0x1A0];
	v36 =	vadd.s32 $0xFFF86000, v22;
	[tilespmem:$0x330] =	vst v32;
	v35 =	vsel vm4, v33, v19  }
0x2e: {  	vm6 =	vgt.s32 v25, $0x79FFF;
	v40 =	vld [tilespmem:$0x1B0];
	v39 =	vadd.s32 $0xFFF86000, v25;
	v38 =	vsel vm5, v36, v22;
	[tilespmem:$0x340] =	vst v35  }
0x2f: {  	vm7 =	vgt.s32 v28, $0x79FFF;
	v43 =	vld [tilespmem:$0x1C0];
	v42 =	vadd.s32 $0xFFF86000, v28;
	v41 =	vsel vm6, v39, v25;
	[tilespmem:$0x350] =	vst v38  }
0x30: {  	vm8 =	vgt.s32 v31, $0x79FFF;
	v46 =	vld [tilespmem:$0x1D0];
	v45 =	vadd.s32 $0xFFF86000, v31;
	v44 =	vsel vm7, v42, v28;
	[tilespmem:$0x360] =	vst v41  }
0x31: {  	v49 =	vld [tilespmem:$0x1E0];
	v47 =	vsel vm8, v45, v31;
	[tilespmem:$0x370] =	vst v44;
	vm9 =	vgt.s32 v34, $0x79FFF;
	v48 =	vadd.s32 $0xFFF86000, v34  }
0x32: {  	v52 =	vld [tilespmem:$0x1F0];
	[tilespmem:$0x380] =	vst v47;
	vm10 =	vgt.s32 v37, $0x79FFF;
	v51 =	vadd.s32 $0xFFF86000, v37;
	v50 =	vsel vm9, v48, v34  }
0x33: {  	vm11 =	vgt.s32 v40, $0x79FFF;
	v54 =	vadd.s32 $0xFFF86000, v40;
	v53 =	vsel vm10, v51, v37;
	[tilespmem:$0x390] =	vst v50  }
0x34: {  	vm12 =	vgt.s32 v43, $0x79FFF;
	v56 =	vadd.s32 $0xFFF86000, v43;
	v55 =	vsel vm11, v54, v40;
	[tilespmem:$0x3A0] =	vst v53  }
0x35: {  	vm13 =	vgt.s32 v46, $0x79FFF;
	v58 =	vadd.s32 $0xFFF86000, v46;
	v57 =	vsel vm12, v56, v43;
	[tilespmem:$0x3B0] =	vst v55  }
0x36: {  	vm14 =	vgt.s32 v49, $0x79FFF;
	v60 =	vadd.s32 $0xFFF86000, v49;
	v59 =	vsel vm13, v58, v46;
	[tilespmem:$0x3C0] =	vst v57  }
0x37: {  	vm15 =	vgt.s32 v52, $0x79FFF;
	v62 =	vadd.s32 $0xFFF86000, v52;
	v61 =	vsel vm14, v60, v49;
	[tilespmem:$0x3D0] =	vst v59  }
0x38: {  	v63 =	vsel vm15, v62, v52;
	[tilespmem:$0x3E0] =	vst v61  }
0x39: {  	[tilespmem:$0x3F0] =	vst v63  }
0x3a: {  	[tilespmem:s10], [sflag:$0x1] =	stream.indirect.gather [hbm4b:s3+s8], $0x80, s9, s8, $0xb8;
	[tilespmem:$0x18400] =	vst v63  }
0x3b: {  	_ = 	snop  }
0x3c: {  	[tilespmem:s12], [sflag:$0x1] =	stream.indirect.gather [hbm4b:s3+s8], $0x80, s11, s8, $0xb8;
	[tilespmem:$0x18400] =	vst v63  }
0x3d: {  	_ = 	snop  }
0x3e: {  	[tilespmem:s14], [sflag:$0x1] =	stream.indirect.gather [hbm4b:s3+s8], $0x80, s13, s8, $0xb8;
	[tilespmem:$0x18400] =	vst v63  }
0x3f: {  	_ = 	snop  }
0x40: {  	[tilespmem:s16], [sflag:$0x1] =	stream.indirect.gather [hbm4b:s3+s8], $0x80, s15, s8, $0xb8;
	[tilespmem:$0x18400] =	vst v63  }
0x41: {  	_ =	swait.ge [sflag:s17], $0x4000  }
0x42: {  	[sflag:s17] =	ssyncset.done $0x0  }
0x43: {  	[sflag:s17] =	ssyncadd.s32 $0xFFFFC000  }
0x44: {  	_ =	swait.ge [sflag:s17], $0x4000  }
0x45: {  	[sflag:s17] =	ssyncset.done $0x0  }
0x46: {  	[sflag:s17] =	ssyncadd.s32 $0xFFFFC000  }
0x47: {  	_ =	swait.ge [sflag:s17], $0x4000  }
0x48: {  	[sflag:s17] =	ssyncset.done $0x0  }
0x49: {  	[sflag:s17] =	ssyncadd.s32 $0xFFFFC000  }
0x4a: {  	_ =	swait.ge [sflag:s17], $0x4000  }
0x4b: {  	s20 =	simm.s32 $0x3C0;
	s21 =	simm.s32 $0x10600;
	[sflag:s17] =	ssyncset.done $0x0  }
0x4c: {  	s22 =	simm.s32 $0x0;
	s23 =	simm.s32 $0x0;
	[sflag:s17] =	ssyncadd.s32 $0xFFFFC000  }
.LBB2_2:
0x4d: {  	v0 =	vld [tilespmem:s22+$0x0];
	_ =	sdelay $0x4  }
0x4e: {  	(v2sf) =	vpush v0, $0x0;
	_ =	sdelay $0xe  }
0x4f: {  	s24 =	spop (v2sf)  }
0x50: {  	s25 =	simm.s32 $0x40;
	p0 =	sgt.s32 s24, $0x79FFF  }
0x51: {  	s24 =	sshra.s32 s23, $0x2;
	s25 =	simm.s32 @!p0 $0x0  }
0x52: {  	s25 =	sadd.s32 s24, s25  }
0x53: {  	v1 =	vld [tilespmem:s25+$0x400];
	_ =	sdelay $0x4  }
0x54: {  	(v2sf) =	vpush v0, $0x1;
	[tilespmem:s21+$0xFFFFFE00] =	vst v1  }
0x55: {  	v1 =	vld [tilespmem:s25+$0x410];
	_ =	sdelay $0x4  }
0x56: {  	[tilespmem:s21+$0xFFFFFE10] =	vst v1  }
0x57: {  	v1 =	vld [tilespmem:s25+$0x420];
	_ =	sdelay $0x4  }
0x58: {  	[tilespmem:s21+$0xFFFFFE20] =	vst v1  }
0x59: {  	v1 =	vld [tilespmem:s25+$0x430];
	_ =	sdelay $0x1  }
0x5a: {  	s29 =	spop (v2sf)  }
0x5b: {  	p0 =	sgt.s32 s29, $0x79FFF;
	s25 =	simm.s32 $0x40  }
0x5c: {  	s25 =	simm.s32 @!p0 $0x0  }
0x5d: {  	s25 =	sadd.s32 s24, s25;
	[tilespmem:s21+$0xFFFFFE30] =	vst v1  }
0x5e: {  	v1 =	vld [tilespmem:s25+$0x480];
	_ =	sdelay $0x4  }
0x5f: {  	(v2sf) =	vpush v0, $0x2;
	[tilespmem:s21+$0xFFFFFE40] =	vst v1  }
0x60: {  	v1 =	vld [tilespmem:s25+$0x490];
	_ =	sdelay $0x2  }
0x61: {  	s26 =	sadd.s32 $0xFFFFFC80, s20  }
0x62: {  	s28 =	sor.u32 $0x50, s26  }
0x63: {  	[tilespmem:s28+$0x10400] =	vst v1  }
0x64: {  	v1 =	vld [tilespmem:s25+$0x4A0];
	_ =	sdelay $0x3  }
0x65: {  	s30 =	sor.u32 $0x60, s26  }
0x66: {  	[tilespmem:s30+$0x10400] =	vst v1  }
0x67: {  	v1 =	vld [tilespmem:s25+$0x4B0];
	_ =	sdelay $0x1  }
0x68: {  	s31 =	spop (v2sf)  }
0x69: {  	p0 =	sgt.s32 s31, $0x79FFF;
	s25 =	simm.s32 $0x40  }
0x6a: {  	s26 =	sor.u32 $0x70, s26;
	s25 =	simm.s32 @!p0 $0x0  }
0x6b: {  	s25 =	sadd.s32 s24, s25;
	[tilespmem:s26+$0x10400] =	vst v1  }
0x6c: {  	v1 =	vld [tilespmem:s25+$0x500];
	_ =	sdelay $0x4  }
0x6d: {  	(v2sf) =	vpush v0, $0x3;
	[tilespmem:s21+$0xFFFFFE80] =	vst v1  }
0x6e: {  	v1 =	vld [tilespmem:s25+$0x510];
	_ =	sdelay $0x4  }
0x6f: {  	[tilespmem:s21+$0xFFFFFE90] =	vst v1  }
0x70: {  	v1 =	vld [tilespmem:s25+$0x520];
	_ =	sdelay $0x4  }
0x71: {  	[tilespmem:s21+$0xFFFFFEA0] =	vst v1  }
0x72: {  	v1 =	vld [tilespmem:s25+$0x530];
	_ =	sdelay $0x1  }
0x73: {  	s28 =	spop (v2sf)  }
0x74: {  	p0 =	sgt.s32 s28, $0x79FFF;
	s25 =	simm.s32 $0x40  }
0x75: {  	s25 =	simm.s32 @!p0 $0x0  }
0x76: {  	s25 =	sadd.s32 s24, s25;
	[tilespmem:s21+$0xFFFFFEB0] =	vst v1  }
0x77: {  	v1 =	vld [tilespmem:s25+$0x580];
	_ =	sdelay $0x4  }
0x78: {  	(v2sf) =	vpush v0, $0x4;
	[tilespmem:s21+$0xFFFFFEC0] =	vst v1  }
0x79: {  	v1 =	vld [tilespmem:s25+$0x590];
	_ =	sdelay $0x2  }
0x7a: {  	s26 =	sadd.s32 $0xFFFFFD00, s20  }
0x7b: {  	s29 =	sor.u32 $0x50, s26  }
0x7c: {  	[tilespmem:s29+$0x10400] =	vst v1  }
0x7d: {  	v1 =	vld [tilespmem:s25+$0x5A0];
	_ =	sdelay $0x3  }
0x7e: {  	s30 =	sor.u32 $0x60, s26  }
0x7f: {  	[tilespmem:s30+$0x10400] =	vst v1  }
0x80: {  	v1 =	vld [tilespmem:s25+$0x5B0];
	_ =	sdelay $0x1  }
0x81: {  	s31 =	spop (v2sf)  }
0x82: {  	p0 =	sgt.s32 s31, $0x79FFF;
	s25 =	simm.s32 $0x40  }
0x83: {  	s26 =	sor.u32 $0x70, s26;
	s25 =	simm.s32 @!p0 $0x0  }
0x84: {  	s25 =	sadd.s32 s24, s25;
	[tilespmem:s26+$0x10400] =	vst v1  }
0x85: {  	v1 =	vld [tilespmem:s25+$0x600];
	_ =	sdelay $0x4  }
0x86: {  	(v2sf) =	vpush v0, $0x5;
	[tilespmem:s21+$0xFFFFFF00] =	vst v1  }
0x87: {  	v1 =	vld [tilespmem:s25+$0x610];
	_ =	sdelay $0x4  }
0x88: {  	[tilespmem:s21+$0xFFFFFF10] =	vst v1  }
0x89: {  	v1 =	vld [tilespmem:s25+$0x620];
	_ =	sdelay $0x4  }
0x8a: {  	[tilespmem:s21+$0xFFFFFF20] =	vst v1  }
0x8b: {  	v1 =	vld [tilespmem:s25+$0x630];
	_ =	sdelay $0x1  }
0x8c: {  	s28 =	spop (v2sf)  }
0x8d: {  	p0 =	sgt.s32 s28, $0x79FFF;
	s25 =	simm.s32 $0x40  }
0x8e: {  	s25 =	simm.s32 @!p0 $0x0  }
0x8f: {  	s25 =	sadd.s32 s24, s25;
	[tilespmem:s21+$0xFFFFFF30] =	vst v1  }
0x90: {  	v1 =	vld [tilespmem:s25+$0x680];
	_ =	sdelay $0x4  }
0x91: {  	(v2sf) =	vpush v0, $0x6;
	[tilespmem:s21+$0xFFFFFF40] =	vst v1  }
0x92: {  	v1 =	vld [tilespmem:s25+$0x690];
	_ =	sdelay $0x2  }
0x93: {  	s26 =	sadd.s32 $0xFFFFFD80, s20  }
0x94: {  	s29 =	sor.u32 $0x50, s26  }
0x95: {  	[tilespmem:s29+$0x10400] =	vst v1  }
0x96: {  	v1 =	vld [tilespmem:s25+$0x6A0];
	_ =	sdelay $0x3  }
0x97: {  	s30 =	sor.u32 $0x60, s26  }
0x98: {  	[tilespmem:s30+$0x10400] =	vst v1  }
0x99: {  	v1 =	vld [tilespmem:s25+$0x6B0];
	_ =	sdelay $0x1  }
0x9a: {  	s31 =	spop (v2sf)  }
0x9b: {  	p0 =	sgt.s32 s31, $0x79FFF;
	s25 =	simm.s32 $0x40  }
0x9c: {  	s26 =	sor.u32 $0x70, s26;
	s25 =	simm.s32 @!p0 $0x0  }
0x9d: {  	s25 =	sadd.s32 s24, s25;
	[tilespmem:s26+$0x10400] =	vst v1  }
0x9e: {  	v1 =	vld [tilespmem:s25+$0x700];
	_ =	sdelay $0x4  }
0x9f: {  	(v2sf) =	vpush v0, $0x7;
	[tilespmem:s21+$0xFFFFFF80] =	vst v1  }
0xa0: {  	v1 =	vld [tilespmem:s25+$0x710];
	_ =	sdelay $0x4  }
0xa1: {  	[tilespmem:s21+$0xFFFFFF90] =	vst v1  }
0xa2: {  	v1 =	vld [tilespmem:s25+$0x720];
	_ =	sdelay $0x4  }
0xa3: {  	[tilespmem:s21+$0xFFFFFFA0] =	vst v1  }
0xa4: {  	v1 =	vld [tilespmem:s25+$0x730];
	_ =	sdelay $0x1  }
0xa5: {  	s28 =	spop (v2sf)  }
0xa6: {  	p0 =	sgt.s32 s28, $0x79FFF;
	s25 =	simm.s32 $0x40  }
0xa7: {  	s25 =	simm.s32 @!p0 $0x0  }
0xa8: {  	s25 =	sadd.s32 s24, s25;
	[tilespmem:s21+$0xFFFFFFB0] =	vst v1  }
0xa9: {  	v1 =	vld [tilespmem:s25+$0x780];
	_ =	sdelay $0x4  }
0xaa: {  	(v2sf) =	vpush v0, $0x8;
	[tilespmem:s21+$0xFFFFFFC0] =	vst v1  }
0xab: {  	v1 =	vld [tilespmem:s25+$0x790];
	_ =	sdelay $0x2  }
0xac: {  	s26 =	sadd.s32 $0xFFFFFE00, s20  }
0xad: {  	s29 =	sor.u32 $0x50, s26  }
0xae: {  	[tilespmem:s29+$0x10400] =	vst v1  }
0xaf: {  	v1 =	vld [tilespmem:s25+$0x7A0];
	_ =	sdelay $0x3  }
0xb0: {  	s30 =	sor.u32 $0x60, s26  }
0xb1: {  	[tilespmem:s30+$0x10400] =	vst v1  }
0xb2: {  	v1 =	vld [tilespmem:s25+$0x7B0];
	_ =	sdelay $0x1  }
0xb3: {  	s31 =	spop (v2sf)  }
0xb4: {  	p0 =	sgt.s32 s31, $0x79FFF;
	s25 =	simm.s32 $0x40  }
0xb5: {  	s26 =	sor.u32 $0x70, s26;
	s25 =	simm.s32 @!p0 $0x0  }
0xb6: {  	s25 =	sadd.s32 s24, s25;
	[tilespmem:s26+$0x10400] =	vst v1  }
0xb7: {  	v1 =	vld [tilespmem:s25+$0x800];
	_ =	sdelay $0x4  }
0xb8: {  	(v2sf) =	vpush v0, $0x9;
	[tilespmem:s21+$0x0] =	vst v1  }
0xb9: {  	v1 =	vld [tilespmem:s25+$0x810];
	_ =	sdelay $0x4  }
0xba: {  	[tilespmem:s21+$0x10] =	vst v1  }
0xbb: {  	v1 =	vld [tilespmem:s25+$0x820];
	_ =	sdelay $0x4  }
0xbc: {  	[tilespmem:s21+$0x20] =	vst v1  }
0xbd: {  	v1 =	vld [tilespmem:s25+$0x830];
	_ =	sdelay $0x1  }
0xbe: {  	s28 =	spop (v2sf)  }
0xbf: {  	p0 =	sgt.s32 s28, $0x79FFF;
	s25 =	simm.s32 $0x40  }
0xc0: {  	s25 =	simm.s32 @!p0 $0x0  }
0xc1: {  	s25 =	sadd.s32 s24, s25;
	[tilespmem:s21+$0x30] =	vst v1  }
0xc2: {  	v1 =	vld [tilespmem:s25+$0x880];
	_ =	sdelay $0x4  }
0xc3: {  	(v2sf) =	vpush v0, $0xA;
	[tilespmem:s21+$0x40] =	vst v1  }
0xc4: {  	v1 =	vld [tilespmem:s25+$0x890];
	_ =	sdelay $0x2  }
0xc5: {  	s26 =	sadd.s32 $0xFFFFFE80, s20  }
0xc6: {  	s29 =	sor.u32 $0x50, s26  }
0xc7: {  	[tilespmem:s29+$0x10400] =	vst v1  }
0xc8: {  	v1 =	vld [tilespmem:s25+$0x8A0];
	_ =	sdelay $0x3  }
0xc9: {  	s30 =	sor.u32 $0x60, s26  }
0xca: {  	[tilespmem:s30+$0x10400] =	vst v1  }
0xcb: {  	v1 =	vld [tilespmem:s25+$0x8B0];
	_ =	sdelay $0x1  }
0xcc: {  	s31 =	spop (v2sf)  }
0xcd: {  	p0 =	sgt.s32 s31, $0x79FFF;
	s25 =	simm.s32 $0x40  }
0xce: {  	s26 =	sor.u32 $0x70, s26;
	s25 =	simm.s32 @!p0 $0x0  }
0xcf: {  	s25 =	sadd.s32 s24, s25;
	[tilespmem:s26+$0x10400] =	vst v1  }
0xd0: {  	v1 =	vld [tilespmem:s25+$0x900];
	_ =	sdelay $0x4  }
0xd1: {  	(v2sf) =	vpush v0, $0xB;
	[tilespmem:s21+$0x80] =	vst v1  }
0xd2: {  	v1 =	vld [tilespmem:s25+$0x910];
	_ =	sdelay $0x4  }
0xd3: {  	[tilespmem:s21+$0x90] =	vst v1  }
0xd4: {  	v1 =	vld [tilespmem:s25+$0x920];
	_ =	sdelay $0x4  }
0xd5: {  	[tilespmem:s21+$0xA0] =	vst v1  }
0xd6: {  	v1 =	vld [tilespmem:s25+$0x930];
	_ =	sdelay $0x1  }
0xd7: {  	s28 =	spop (v2sf)  }
0xd8: {  	p0 =	sgt.s32 s28, $0x79FFF;
	s25 =	simm.s32 $0x40  }
0xd9: {  	s25 =	simm.s32 @!p0 $0x0  }
0xda: {  	s25 =	sadd.s32 s24, s25;
	[tilespmem:s21+$0xB0] =	vst v1  }
0xdb: {  	v1 =	vld [tilespmem:s25+$0x980];
	_ =	sdelay $0x4  }
0xdc: {  	(v2sf) =	vpush v0, $0xC;
	[tilespmem:s21+$0xC0] =	vst v1  }
0xdd: {  	v1 =	vld [tilespmem:s25+$0x990];
	_ =	sdelay $0x2  }
0xde: {  	s26 =	sadd.s32 $0xFFFFFF00, s20  }
0xdf: {  	s29 =	sor.u32 $0x50, s26  }
0xe0: {  	[tilespmem:s29+$0x10400] =	vst v1  }
0xe1: {  	v1 =	vld [tilespmem:s25+$0x9A0];
	_ =	sdelay $0x3  }
0xe2: {  	s30 =	sor.u32 $0x60, s26  }
0xe3: {  	[tilespmem:s30+$0x10400] =	vst v1  }
0xe4: {  	v1 =	vld [tilespmem:s25+$0x9B0];
	_ =	sdelay $0x1  }
0xe5: {  	s31 =	spop (v2sf)  }
0xe6: {  	p0 =	sgt.s32 s31, $0x79FFF;
	s25 =	simm.s32 $0x40  }
0xe7: {  	s26 =	sor.u32 $0x70, s26;
	s25 =	simm.s32 @!p0 $0x0  }
0xe8: {  	s25 =	sadd.s32 s24, s25;
	[tilespmem:s26+$0x10400] =	vst v1  }
0xe9: {  	v1 =	vld [tilespmem:s25+$0xA00];
	_ =	sdelay $0x4  }
0xea: {  	(v2sf) =	vpush v0, $0xD;
	[tilespmem:s21+$0x100] =	vst v1  }
0xeb: {  	v1 =	vld [tilespmem:s25+$0xA10];
	_ =	sdelay $0x4  }
0xec: {  	[tilespmem:s21+$0x110] =	vst v1  }
0xed: {  	v1 =	vld [tilespmem:s25+$0xA20];
	_ =	sdelay $0x4  }
0xee: {  	[tilespmem:s21+$0x120] =	vst v1  }
0xef: {  	v1 =	vld [tilespmem:s25+$0xA30];
	_ =	sdelay $0x1  }
0xf0: {  	s28 =	spop (v2sf)  }
0xf1: {  	p0 =	sgt.s32 s28, $0x79FFF;
	s25 =	simm.s32 $0x40  }
0xf2: {  	s25 =	simm.s32 @!p0 $0x0  }
0xf3: {  	s25 =	sadd.s32 s24, s25;
	[tilespmem:s21+$0x130] =	vst v1  }
0xf4: {  	v1 =	vld [tilespmem:s25+$0xA80];
	_ =	sdelay $0x4  }
0xf5: {  	(v2sf) =	vpush v0, $0xE;
	[tilespmem:s21+$0x140] =	vst v1  }
0xf6: {  	v1 =	vld [tilespmem:s25+$0xA90];
	_ =	sdelay $0x2  }
0xf7: {  	s26 =	sadd.s32 $0xFFFFFF80, s20  }
0xf8: {  	s29 =	sor.u32 $0x50, s26  }
0xf9: {  	[tilespmem:s29+$0x10400] =	vst v1  }
0xfa: {  	v1 =	vld [tilespmem:s25+$0xAA0];
	_ =	sdelay $0x3  }
0xfb: {  	s30 =	sor.u32 $0x60, s26  }
0xfc: {  	[tilespmem:s30+$0x10400] =	vst v1  }
0xfd: {  	v1 =	vld [tilespmem:s25+$0xAB0];
	_ =	sdelay $0x1  }
0xfe: {  	s31 =	spop (v2sf)  }
0xff: {  	p0 =	sgt.s32 s31, $0x79FFF;
	s25 =	simm.s32 $0x40  }
0x100: {  	s26 =	sor.u32 $0x70, s26;
	s25 =	simm.s32 @!p0 $0x0  }
0x101: {  	s25 =	sadd.s32 s24, s25;
	[tilespmem:s26+$0x10400] =	vst v1  }
0x102: {  	v1 =	vld [tilespmem:s25+$0xB00];
	_ =	sdelay $0x4  }
0x103: {  	(v2sf) =	vpush v0, $0xF;
	[tilespmem:s21+$0x180] =	vst v1  }
0x104: {  	v63 =	vld [tilespmem:s25+$0xB10];
	_ =	sdelay $0x4  }
0x105: {  	[tilespmem:s21+$0x190] =	vst v63  }
0x106: {  	v0 =	vld [tilespmem:s25+$0xB20];
	_ =	sdelay $0x4  }
0x107: {  	[tilespmem:s21+$0x1A0] =	vst v0  }
0x108: {  	v0 =	vld [tilespmem:s25+$0xB30];
	_ =	sdelay $0x1  }
0x109: {  	s28 =	spop (v2sf)  }
0x10a: {  	p0 =	sgt.s32 s28, $0x79FFF;
	s25 =	simm.s32 $0x40  }
0x10b: {  	s25 =	simm.s32 @!p0 $0x0  }
0x10c: {  	s24 =	sadd.s32 s24, s25;
	[tilespmem:s21+$0x1B0] =	vst v0  }
0x10d: {  	v0 =	vld [tilespmem:s24+$0xB80];
	_ =	sdelay $0x4  }
0x10e: {  	[tilespmem:s21+$0x1C0] =	vst v0  }
0x10f: {  	v0 =	vld [tilespmem:s24+$0xB90];
	_ =	sdelay $0x3  }
0x110: {  	s29 =	sor.u32 $0x50, s20  }
0x111: {  	[tilespmem:s29+$0x10400] =	vst v0  }
0x112: {  	v0 =	vld [tilespmem:s24+$0xBA0];
	_ =	sdelay $0x3  }
0x113: {  	s30 =	sor.u32 $0x60, s20  }
0x114: {  	[tilespmem:s30+$0x10400] =	vst v0  }
0x115: {  	p0 =	sne.s32 s23, $0x3E000;
	v0 =	vld [tilespmem:s24+$0xBB0]  }
.Ltmp0:
0x116: {  	_ = 	snop;
	(pc) =	sbr.rel @p0 .LBB2_2-.Ltmp0, $3  }
0x117: {  	_ =	sdelay $0x1  }
0x118: {  	s22 =	sadd.s32 $0x10, s22;
	s31 =	sor.u32 $0x70, s20  }
0x119: {  	s20 =	sadd.s32 $0x400, s20;
	s23 =	sadd.s32 $0x2000, s23;
	s21 =	sadd.s32 $0x400, s21;
	[tilespmem:s31+$0x10400] =	vst v0  }
0x11a: {  	s19 =	sadd.s32 $0x1, s19  }
0x11b: {  	p0 =	sne.s32 s19, s6  }
.Ltmp1:
0x11c: {  	_ = 	snop;
	(pc) =	sbr.rel @p0 .LBB2_1-.Ltmp1, $4  }
0x11d: {  	[hbm4b:s5+s2] =	stream.linear.scatter [tilespmem:s18], [sflag:$0x2], $0x8000, $0x38;
	[tilespmem:$0x18400] =	vst v63  }
0x11e: {  	_ =	swait.ge [sflag:s7], $0x8000  }
0x11f: {  	[sflag:s7] =	ssyncset.done $0x0  }
0x120: {  	[sflag:s7] =	ssyncadd.s32 $0xFFFF8000  }
0x121: {  	_ =	sfence.sel $0x180000  }
0x122: {  	[bflag:$0x0] =	sbarrier.arrive $0xFFFF  }
0x123: {  	p0 =	sne.s32 s1, $0x0;
	_ =	strace $0x90000047  }
0x124: {  	s0 =	sadd.s32 @!p0 $0x100000, s0;
	[bflag:$0x2] =	sbarrier.arrive $0xFFFF  }
0x125: {  	[sflag:s0] =	ssyncadd.tile.s32 @!p0 $0x1;
	_ =	shalt  }
.Lfunc_end2:
_tile_overlayer_lowered:
.L_overlay_start_2:
0x126: {  	(tag) =	ssettag $0x2  }
0x127: {  	s0 =	rddreg [dreg:$0x0];
	s2 =	stileid.u32  }
0x128: {  	s1 =	rddreg [dreg:$0x1];
	p0 =	sne.s32 s2, $0x0  }
0x129: {  	s3 =	rddreg [dreg:$0x2];
	[bflag:$0x3] =	sbarrier.arrive $0xFFFF;
	s2 =	simm.s32 @!p0 $0x1C02  }
0x12a: {  	[timem:s3], [sflag:s2] =	dma.local @!p0 [hbm:s0], s1  }
0x12b: {  	s0 =	simm.s32 @!p0 $0x2  }
0x12c: {  	_ =	swait.ge @!p0 [sflag:s0], s1  }
0x12d: {  	s1 =	ssub.s32 @!p0 $0x0, s1;
	[sflag:s0] =	ssyncset.done @!p0 $0x0  }
0x12e: {  	[sflag:s0] =	ssyncadd.s32 @!p0 s1  }
0x12f: {  	[bflag:$0x3] =	sbarrier.arrive $0xFFFF  }
0x130: {  	_ =	shalt  }

</sc_bundles>
